<compile_context>
chip_gen: v7x
topology: tpu7x:2x2x1
jax: 0.10.2.dev20260603
libtpu: 0.0.44.dev20260713+nightly
codegen_flags: <defaults>
</compile_context>

<pallas_src>
import functools
import math

import jax
import jax.numpy as jnp
from jax import lax
from jax.experimental import pallas as pl
from jax.experimental.pallas import tpu as pltpu
from jax.experimental.pallas import tpu_sc as plsc

N = 4096
V = 32768
SMOOTH = 0.1
CONF = 1.0 - SMOOTH
R = SMOOTH / (V - 2)
K = (V - 2) * R * math.log(R) + CONF * math.log(CONF)

NC = 2
NS = 16
L = 16
NW = NC * NS
RPW = N // NW

G = 16
RB = 128


def _make_sc_gather():
    mesh = plsc.VectorSubcoreMesh(core_axis_name="c", subcore_axis_name="s")

    @functools.partial(
        pl.kernel,
        mesh=mesh,
        out_type=jax.ShapeDtypeStruct((NW, L), jnp.float32),
        scratch_types=[
            pltpu.SMEM((G,), jnp.int32),
            pltpu.VMEM((RPW,), jnp.float32),
            pltpu.VMEM((G, 8, 128), jnp.float32),
            pltpu.VMEM((L,), jnp.float32),
            pltpu.SemaphoreType.DMA,
        ],
    )
    def sc_gather(p_hbm, tgt_hbm, out_hbm, tgt_s, tgt_v, tiles_v, acc_v, sem):
        wid = lax.axis_index("s") * NC + lax.axis_index("c")
        base = wid * RPW
        pltpu.sync_copy(tgt_hbm.at[pl.ds(base, RPW)], tgt_v)
        iota = lax.iota(jnp.int32, L)

        def chunk(g, acc):
            g0 = pl.multiple_of(g * G, G)
            tv = tgt_v[pl.ds(g0, G)]
            for k in range(G):
                tgt_s[k] = tv[k].astype(jnp.int32)
            ts = [tgt_s[k] for k in range(G)]
            copies = []
            for k in range(G):
                t = ts[k]
                r0 = pl.multiple_of(base + g0 + (k & ~7), 8)
                c0 = pl.multiple_of((t >> 7) << 7, 128)
                copies.append(
                    pltpu.async_copy(
                        p_hbm.at[pl.ds(r0, 8), pl.ds(c0, 128)],
                        tiles_v.at[k], sem))
            for c in copies:
                c.wait()
            for k in range(G):
                t = ts[k]
                cl = t & 0x70
                vec = tiles_v[k, k & 7, pl.ds(cl, L)]
                lane = jnp.where(t != 0, t & (L - 1), -1)
                acc = acc + jnp.where(iota == lane,
                                      (R - CONF) * vec + K, 0.0)
            return acc

        acc = lax.fori_loop(0, RPW // G, chunk, jnp.zeros((L,), jnp.float32))
        acc_v[...] = acc
        pltpu.sync_copy(acc_v, out_hbm.at[wid])

    return sc_gather


def _tc_body(p_ref, tgt_ref, out_ref):
    j = pl.program_id(0)
    mask = tgt_ref[...] != 0
    rowsums = jnp.sum(p_ref[...], axis=1, keepdims=True)
    bsum = jnp.sum(jnp.where(mask, rowsums, 0.0))
    col0 = jnp.sum(jnp.where(mask, p_ref[:, 0:1], 0.0))
    part = R * col0 - R * bsum

    @pl.when(j == 0)
    def _():
        out_ref[0, 0] = part

    @pl.when(j > 0)
    def _():
        out_ref[0, 0] = out_ref[0, 0] + part


def _combine_body(tcp_ref, scp_ref, out_ref):
    out_ref[0, 0] = tcp_ref[0, 0] + jnp.sum(scp_ref[...])


def kernel(predicted_log_probabilities, tgt_tokens):
    p = predicted_log_probabilities
    scp = _make_sc_gather()(p, tgt_tokens.astype(jnp.float32))
    tgt2d = tgt_tokens.reshape(N, 1)
    tcp = pl.pallas_call(
        _tc_body,
        grid=(N // RB,),
        in_specs=[
            pl.BlockSpec((RB, V), lambda j: (j, 0)),
            pl.BlockSpec((RB, 1), lambda j: (j, 0)),
        ],
        out_specs=pl.BlockSpec(memory_space=pltpu.SMEM),
        out_shape=jax.ShapeDtypeStruct((1, 1), jnp.float32),
        compiler_params=pltpu.CompilerParams(
            vmem_limit_bytes=100 * 1024 * 1024),
    )(p, tgt2d)
    out = pl.pallas_call(
        _combine_body,
        in_specs=[
            pl.BlockSpec(memory_space=pltpu.SMEM),
            pl.BlockSpec((NW, L), lambda: (0, 0)),
        ],
        out_specs=pl.BlockSpec(memory_space=pltpu.SMEM),
        out_shape=jax.ShapeDtypeStruct((1, 1), jnp.float32),
    )(tcp, scp)
    return out[0, 0]

# --- scband reference (transcript-rebuilt; emitter-appended) ---
"""Pipeline reference for scband-label-smoothed-loss-29265907155059 (READ-ONLY COPY).

The authoritative reference and input builder live on the scoring server;
editing this copy changes nothing except your own understanding.
"""

import jax, jax.numpy as jnp
import numpy as np

SOFTMAX_DIMENSION = 32768
PADDING_TOKEN = 0
SMOOTHING_FACTOR = 0.1
N_TOKENS = 4096


def setup_inputs(seed: int = 0) -> dict:
    key = jax.random.key(seed)
    k1, k2 = jax.random.split(key)
    predicted_log_probabilities = jax.random.normal(k1, (N_TOKENS, SOFTMAX_DIMENSION), dtype=jnp.float32)
    tgt_tokens = jax.random.randint(k2, (N_TOKENS,), 0, SOFTMAX_DIMENSION, dtype=jnp.int32)
    return {
        "predicted_log_probabilities": predicted_log_probabilities,
        "tgt_tokens": tgt_tokens,
    }


def reference(predicted_log_probabilities, tgt_tokens):
    n, v = predicted_log_probabilities.shape
    confidence = 1.0 - SMOOTHING_FACTOR
    redistributed = SMOOTHING_FACTOR / (v - 2)
    # smoothed target distribution: fill with redistributed prob, scatter confidence at target ids
    target = jnp.full((n, v), redistributed, dtype=predicted_log_probabilities.dtype)
    rows = jnp.arange(n)
    target = target.at[rows, tgt_tokens].set(confidence)
    # zero out padding-token column
    target = target.at[:, PADDING_TOKEN].set(0.0)
    # zero out rows whose target token is the padding token (index_fill_ equivalent)
    pad_mask = tgt_tokens == PADDING_TOKEN
    target = jnp.where(pad_mask[:, None], 0.0, target)
    # KLDivLoss(reduction='sum', log_target=False):
    #   sum over all elements of target * (log(target) - input), with 0*log(0)=0
    loss = jnp.sum(jax.scipy.special.xlogy(target, target) - target * predicted_log_probabilities)
    return loss

if __name__ == "__main__":
    import jax
    _d = setup_inputs()
    print(jax.jit(kernel)(*tuple(_d.values())))

</pallas_src>

<mosaic_0001>
#map = affine_map<(d0, d1) -> (0, 0)>
#map1 = affine_map<(d0, d1) -> (0)>
module attributes {stable_mosaic.version = 14 : i64} {
  func.func @sc_gather(%arg0: i32, %arg1: i32, %arg2: memref<4096x32768xf32, #tpu.memory_space<hbm>>, %arg3: memref<4096xf32, #tpu.memory_space<hbm>>, %arg4: memref<32x16xf32, #tpu.memory_space<hbm>>, %arg5: memref<16xi32, #tpu.memory_space<smem>>, %arg6: memref<128xf32, #tpu.memory_space<vmem>>, %arg7: memref<16x8x128xf32, #tpu.memory_space<vmem>>, %arg8: memref<16xf32, #tpu.memory_space<vmem>>, %arg9: memref<!tpu.dma_semaphore, #tpu.memory_space<semaphore_mem>>) attributes {dimension_semantics = [#tpu.dimension_semantics<core_parallel>, #tpu.dimension_semantics<subcore_parallel>], iteration_bounds = array<i64: 2, 16>, scalar_prefetch = 0 : i64, scratch_operands = 5 : i64, tpu.core_type = #tpu.core_type<sc_vector_subcore>, window_params = [{transform_indices = #map}, {transform_indices = #map1}, {transform_indices = #map}]} {
    %mul3A = arith.constant 2 : i32
    %mul3A_0 = arith.muli %arg1, %mul3A : i32
    %add3A = arith.addi %mul3A_0, %arg0 : i32
    %mul3A_1 = arith.constant 128 : i32
    %mul3A_2 = arith.muli %add3A, %mul3A_1 : i32
    "tpu.region"() ({
      %run_scoped3A = tpu.sem_alloc : memref<!tpu.dma_semaphore, #tpu.memory_space<semaphore_mem>>
      %dma_start3A = tpu.memref_slice %arg3[%mul3A_2] : memref<4096xf32, #tpu.memory_space<hbm>> -> memref<128xf32, #tpu.memory_space<hbm>>
      %dma_start3A_12 = tpu.memref_slice %arg3[%mul3A_2] : memref<4096xf32, #tpu.memory_space<hbm>> -> memref<128xf32, #tpu.memory_space<hbm>>
      tpu.enqueue_dma source(%dma_start3A_12 : memref<128xf32, #tpu.memory_space<hbm>>) target(%arg6 : memref<128xf32, #tpu.memory_space<vmem>>) target_semaphore(%run_scoped3A : memref<!tpu.dma_semaphore, #tpu.memory_space<semaphore_mem>>)
      %dma_wait3A = tpu.memref_slice %arg3[%mul3A_2] : memref<4096xf32, #tpu.memory_space<hbm>> -> memref<128xf32, #tpu.memory_space<hbm>>
      %dma_wait3A_13 = tpu.memref_slice %arg3[%mul3A_2] : memref<4096xf32, #tpu.memory_space<hbm>> -> memref<128xf32, #tpu.memory_space<hbm>>
      tpu.wait_dma2 semaphore(%run_scoped3A : memref<!tpu.dma_semaphore, #tpu.memory_space<semaphore_mem>>) src(%dma_wait3A_13 : memref<128xf32, #tpu.memory_space<hbm>>) dst(%arg6 : memref<128xf32, #tpu.memory_space<vmem>>)
      tpu.yield
    }) : () -> ()
    %iota3A = tpu.iota {dimensions = array<i32: 0>} : vector<16xi32>
    %broadcast_in_dim3A = arith.constant 0.000000e+00 : f32
    %broadcast_in_dim3A_3 = vector.broadcast %broadcast_in_dim3A : f32 to vector<16xf32>
    %scan3A = arith.constant 0 : i32
    %scan3A_4 = arith.constant 8 : i32
    %scan3A_5 = arith.addi %scan3A, %scan3A_4 : i32
    %scan3A_6 = arith.constant 1 : i32
    %scan3A_7 = scf.for %scan3A_12 = %scan3A to %scan3A_5 step %scan3A_6 iter_args(%scan3A_13 = %broadcast_in_dim3A_3) -> (vector<16xf32>)  : i32 {
      %mul3A_14 = arith.constant 16 : i32
      %mul3A_15 = arith.muli %scan3A_12, %mul3A_14 : i32
      %multiple_of3A = tpu.assume_multiple %mul3A_15, 16 : i32
      %get3A = arith.index_cast %multiple_of3A : i32 to index
      %get3A_16 = tpu.vector_load %arg6[%get3A] {strides = array<i32>} : memref<128xf32, #tpu.memory_space<vmem>>, vector<16xf32>,
      %get3A_17 = vector.shape_cast %get3A_16 : vector<16xf32> to vector<16xf32>
      %slice3A = vector.extract_strided_slice %get3A_17 {offsets = [0], sizes = [1], strides = [1]} : vector<16xf32> to vector<1xf32>
      %squeeze3A = vector.extract %slice3A[0] : f32 from vector<1xf32>
      %convert_element_type3A = arith.fptosi %squeeze3A : f32 to i32
      %swap3A_18 = arith.constant 0 : i32
      %swap3A_19 = arith.index_cast %swap3A_18 : i32 to index
      %swap3A_20 = memref.load %arg5[%swap3A_19] : memref<16xi32, #tpu.memory_space<smem>>
      memref.store %convert_element_type3A, %arg5[%swap3A_19] : memref<16xi32, #tpu.memory_space<smem>>
      %slice3A_21 = vector.extract_strided_slice %get3A_17 {offsets = [1], sizes = [1], strides = [1]} : vector<16xf32> to vector<1xf32>
      %squeeze3A_22 = vector.extract %slice3A_21[0] : f32 from vector<1xf32>
      %convert_element_type3A_23 = arith.fptosi %squeeze3A_22 : f32 to i32
      %swap3A_24 = arith.constant 1 : i32
      %swap3A_25 = arith.index_cast %swap3A_24 : i32 to index
      %swap3A_26 = memref.load %arg5[%swap3A_25] : memref<16xi32, #tpu.memory_space<smem>>
      memref.store %convert_element_type3A_23, %arg5[%swap3A_25] : memref<16xi32, #tpu.memory_space<smem>>
      %slice3A_27 = vector.extract_strided_slice %get3A_17 {offsets = [2], sizes = [1], strides = [1]} : vector<16xf32> to vector<1xf32>
      %squeeze3A_28 = vector.extract %slice3A_27[0] : f32 from vector<1xf32>
      %convert_element_type3A_29 = arith.fptosi %squeeze3A_28 : f32 to i32
      %swap3A_30 = arith.constant 2 : i32
      %swap3A_31 = arith.index_cast %swap3A_30 : i32 to index
      %swap3A_32 = memref.load %arg5[%swap3A_31] : memref<16xi32, #tpu.memory_space<smem>>
      memref.store %convert_element_type3A_29, %arg5[%swap3A_31] : memref<16xi32, #tpu.memory_space<smem>>
      %slice3A_33 = vector.extract_strided_slice %get3A_17 {offsets = [3], sizes = [1], strides = [1]} : vector<16xf32> to vector<1xf32>
      %squeeze3A_34 = vector.extract %slice3A_33[0] : f32 from vector<1xf32>
      %convert_element_type3A_35 = arith.fptosi %squeeze3A_34 : f32 to i32
      %swap3A_36 = arith.constant 3 : i32
      %swap3A_37 = arith.index_cast %swap3A_36 : i32 to index
      %swap3A_38 = memref.load %arg5[%swap3A_37] : memref<16xi32, #tpu.memory_space<smem>>
      memref.store %convert_element_type3A_35, %arg5[%swap3A_37] : memref<16xi32, #tpu.memory_space<smem>>
      %slice3A_39 = vector.extract_strided_slice %get3A_17 {offsets = [4], sizes = [1], strides = [1]} : vector<16xf32> to vector<1xf32>
      %squeeze3A_40 = vector.extract %slice3A_39[0] : f32 from vector<1xf32>
      %convert_element_type3A_41 = arith.fptosi %squeeze3A_40 : f32 to i32
      %swap3A_42 = arith.constant 4 : i32
      %swap3A_43 = arith.index_cast %swap3A_42 : i32 to index
      %swap3A_44 = memref.load %arg5[%swap3A_43] : memref<16xi32, #tpu.memory_space<smem>>
      memref.store %convert_element_type3A_41, %arg5[%swap3A_43] : memref<16xi32, #tpu.memory_space<smem>>
      %slice3A_45 = vector.extract_strided_slice %get3A_17 {offsets = [5], sizes = [1], strides = [1]} : vector<16xf32> to vector<1xf32>
      %squeeze3A_46 = vector.extract %slice3A_45[0] : f32 from vector<1xf32>
      %convert_element_type3A_47 = arith.fptosi %squeeze3A_46 : f32 to i32
      %swap3A_48 = arith.constant 5 : i32
      %swap3A_49 = arith.index_cast %swap3A_48 : i32 to index
      %swap3A_50 = memref.load %arg5[%swap3A_49] : memref<16xi32, #tpu.memory_space<smem>>
      memref.store %convert_element_type3A_47, %arg5[%swap3A_49] : memref<16xi32, #tpu.memory_space<smem>>
      %slice3A_51 = vector.extract_strided_slice %get3A_17 {offsets = [6], sizes = [1], strides = [1]} : vector<16xf32> to vector<1xf32>
      %squeeze3A_52 = vector.extract %slice3A_51[0] : f32 from vector<1xf32>
      %convert_element_type3A_53 = arith.fptosi %squeeze3A_52 : f32 to i32
      %swap3A_54 = arith.constant 6 : i32
      %swap3A_55 = arith.index_cast %swap3A_54 : i32 to index
      %swap3A_56 = memref.load %arg5[%swap3A_55] : memref<16xi32, #tpu.memory_space<smem>>
      memref.store %convert_element_type3A_53, %arg5[%swap3A_55] : memref<16xi32, #tpu.memory_space<smem>>
      %slice3A_57 = vector.extract_strided_slice %get3A_17 {offsets = [7], sizes = [1], strides = [1]} : vector<16xf32> to vector<1xf32>
      %squeeze3A_58 = vector.extract %slice3A_57[0] : f32 from vector<1xf32>
      %convert_element_type3A_59 = arith.fptosi %squeeze3A_58 : f32 to i32
      %swap3A_60 = arith.constant 7 : i32
      %swap3A_61 = arith.index_cast %swap3A_60 : i32 to index
      %swap3A_62 = memref.load %arg5[%swap3A_61] : memref<16xi32, #tpu.memory_space<smem>>
      memref.store %convert_element_type3A_59, %arg5[%swap3A_61] : memref<16xi32, #tpu.memory_space<smem>>
      %slice3A_63 = vector.extract_strided_slice %get3A_17 {offsets = [8], sizes = [1], strides = [1]} : vector<16xf32> to vector<1xf32>
      %squeeze3A_64 = vector.extract %slice3A_63[0] : f32 from vector<1xf32>
      %convert_element_type3A_65 = arith.fptosi %squeeze3A_64 : f32 to i32
      %swap3A_66 = arith.constant 8 : i32
      %swap3A_67 = arith.index_cast %swap3A_66 : i32 to index
      %swap3A_68 = memref.load %arg5[%swap3A_67] : memref<16xi32, #tpu.memory_space<smem>>
      memref.store %convert_element_type3A_65, %arg5[%swap3A_67] : memref<16xi32, #tpu.memory_space<smem>>
      %slice3A_69 = vector.extract_strided_slice %get3A_17 {offsets = [9], sizes = [1], strides = [1]} : vector<16xf32> to vector<1xf32>
      %squeeze3A_70 = vector.extract %slice3A_69[0] : f32 from vector<1xf32>
      %convert_element_type3A_71 = arith.fptosi %squeeze3A_70 : f32 to i32
      %swap3A_72 = arith.constant 9 : i32
      %swap3A_73 = arith.index_cast %swap3A_72 : i32 to index
      %swap3A_74 = memref.load %arg5[%swap3A_73] : memref<16xi32, #tpu.memory_space<smem>>
      memref.store %convert_element_type3A_71, %arg5[%swap3A_73] : memref<16xi32, #tpu.memory_space<smem>>
      %slice3A_75 = vector.extract_strided_slice %get3A_17 {offsets = [10], sizes = [1], strides = [1]} : vector<16xf32> to vector<1xf32>
      %squeeze3A_76 = vector.extract %slice3A_75[0] : f32 from vector<1xf32>
      %convert_element_type3A_77 = arith.fptosi %squeeze3A_76 : f32 to i32
      %swap3A_78 = arith.constant 10 : i32
      %swap3A_79 = arith.index_cast %swap3A_78 : i32 to index
      %swap3A_80 = memref.load %arg5[%swap3A_79] : memref<16xi32, #tpu.memory_space<smem>>
      memref.store %convert_element_type3A_77, %arg5[%swap3A_79] : memref<16xi32, #tpu.memory_space<smem>>
      %slice3A_81 = vector.extract_strided_slice %get3A_17 {offsets = [11], sizes = [1], strides = [1]} : vector<16xf32> to vector<1xf32>
      %squeeze3A_82 = vector.extract %slice3A_81[0] : f32 from vector<1xf32>
      %convert_element_type3A_83 = arith.fptosi %squeeze3A_82 : f32 to i32
      %swap3A_84 = arith.constant 11 : i32
      %swap3A_85 = arith.index_cast %swap3A_84 : i32 to index
      %swap3A_86 = memref.load %arg5[%swap3A_85] : memref<16xi32, #tpu.memory_space<smem>>
      memref.store %convert_element_type3A_83, %arg5[%swap3A_85] : memref<16xi32, #tpu.memory_space<smem>>
      %slice3A_87 = vector.extract_strided_slice %get3A_17 {offsets = [12], sizes = [1], strides = [1]} : vector<16xf32> to vector<1xf32>
      %squeeze3A_88 = vector.extract %slice3A_87[0] : f32 from vector<1xf32>
      %convert_element_type3A_89 = arith.fptosi %squeeze3A_88 : f32 to i32
      %swap3A_90 = arith.constant 12 : i32
      %swap3A_91 = arith.index_cast %swap3A_90 : i32 to index
      %swap3A_92 = memref.load %arg5[%swap3A_91] : memref<16xi32, #tpu.memory_space<smem>>
      memref.store %convert_element_type3A_89, %arg5[%swap3A_91] : memref<16xi32, #tpu.memory_space<smem>>
      %slice3A_93 = vector.extract_strided_slice %get3A_17 {offsets = [13], sizes = [1], strides = [1]} : vector<16xf32> to vector<1xf32>
      %squeeze3A_94 = vector.extract %slice3A_93[0] : f32 from vector<1xf32>
      %convert_element_type3A_95 = arith.fptosi %squeeze3A_94 : f32 to i32
      %swap3A_96 = arith.constant 13 : i32
      %swap3A_97 = arith.index_cast %swap3A_96 : i32 to index
      %swap3A_98 = memref.load %arg5[%swap3A_97] : memref<16xi32, #tpu.memory_space<smem>>
      memref.store %convert_element_type3A_95, %arg5[%swap3A_97] : memref<16xi32, #tpu.memory_space<smem>>
      %slice3A_99 = vector.extract_strided_slice %get3A_17 {offsets = [14], sizes = [1], strides = [1]} : vector<16xf32> to vector<1xf32>
      %squeeze3A_100 = vector.extract %slice3A_99[0] : f32 from vector<1xf32>
      %convert_element_type3A_101 = arith.fptosi %squeeze3A_100 : f32 to i32
      %swap3A_102 = arith.constant 14 : i32
      %swap3A_103 = arith.index_cast %swap3A_102 : i32 to index
      %swap3A_104 = memref.load %arg5[%swap3A_103] : memref<16xi32, #tpu.memory_space<smem>>
      memref.store %convert_element_type3A_101, %arg5[%swap3A_103] : memref<16xi32, #tpu.memory_space<smem>>
      %slice3A_105 = vector.extract_strided_slice %get3A_17 {offsets = [15], sizes = [1], strides = [1]} : vector<16xf32> to vector<1xf32>
      %squeeze3A_106 = vector.extract %slice3A_105[0] : f32 from vector<1xf32>
      %convert_element_type3A_107 = arith.fptosi %squeeze3A_106 : f32 to i32
      %swap3A_108 = arith.constant 15 : i32
      %swap3A_109 = arith.index_cast %swap3A_108 : i32 to index
      %swap3A_110 = memref.load %arg5[%swap3A_109] : memref<16xi32, #tpu.memory_space<smem>>
      memref.store %convert_element_type3A_107, %arg5[%swap3A_109] : memref<16xi32, #tpu.memory_space<smem>>
      %get3A_111 = arith.constant 0 : i32
      %get3A_112 = arith.index_cast %get3A_111 : i32 to index
      %get3A_113 = memref.load %arg5[%get3A_112] : memref<16xi32, #tpu.memory_space<smem>>
      %get3A_114 = arith.constant 1 : i32
      %get3A_115 = arith.index_cast %get3A_114 : i32 to index
      %get3A_116 = memref.load %arg5[%get3A_115] : memref<16xi32, #tpu.memory_space<smem>>
      %get3A_117 = arith.constant 2 : i32
      %get3A_118 = arith.index_cast %get3A_117 : i32 to index
      %get3A_119 = memref.load %arg5[%get3A_118] : memref<16xi32, #tpu.memory_space<smem>>
      %get3A_120 = arith.constant 3 : i32
      %get3A_121 = arith.index_cast %get3A_120 : i32 to index
      %get3A_122 = memref.load %arg5[%get3A_121] : memref<16xi32, #tpu.memory_space<smem>>
      %get3A_123 = arith.constant 4 : i32
      %get3A_124 = arith.index_cast %get3A_123 : i32 to index
      %get3A_125 = memref.load %arg5[%get3A_124] : memref<16xi32, #tpu.memory_space<smem>>
      %get3A_126 = arith.constant 5 : i32
      %get3A_127 = arith.index_cast %get3A_126 : i32 to index
      %get3A_128 = memref.load %arg5[%get3A_127] : memref<16xi32, #tpu.memory_space<smem>>
      %get3A_129 = arith.constant 6 : i32
      %get3A_130 = arith.index_cast %get3A_129 : i32 to index
      %get3A_131 = memref.load %arg5[%get3A_130] : memref<16xi32, #tpu.memory_space<smem>>
      %get3A_132 = arith.constant 7 : i32
      %get3A_133 = arith.index_cast %get3A_132 : i32 to index
      %get3A_134 = memref.load %arg5[%get3A_133] : memref<16xi32, #tpu.memory_space<smem>>
      %get3A_135 = arith.constant 8 : i32
      %get3A_136 = arith.index_cast %get3A_135 : i32 to index
      %get3A_137 = memref.load %arg5[%get3A_136] : memref<16xi32, #tpu.memory_space<smem>>
      %get3A_138 = arith.constant 9 : i32
      %get3A_139 = arith.index_cast %get3A_138 : i32 to index
      %get3A_140 = memref.load %arg5[%get3A_139] : memref<16xi32, #tpu.memory_space<smem>>
      %get3A_141 = arith.constant 10 : i32
      %get3A_142 = arith.index_cast %get3A_141 : i32 to index
      %get3A_143 = memref.load %arg5[%get3A_142] : memref<16xi32, #tpu.memory_space<smem>>
      %get3A_144 = arith.constant 11 : i32
      %get3A_145 = arith.index_cast %get3A_144 : i32 to index
      %get3A_146 = memref.load %arg5[%get3A_145] : memref<16xi32, #tpu.memory_space<smem>>
      %get3A_147 = arith.constant 12 : i32
      %get3A_148 = arith.index_cast %get3A_147 : i32 to index
      %get3A_149 = memref.load %arg5[%get3A_148] : memref<16xi32, #tpu.memory_space<smem>>
      %get3A_150 = arith.constant 13 : i32
      %get3A_151 = arith.index_cast %get3A_150 : i32 to index
      %get3A_152 = memref.load %arg5[%get3A_151] : memref<16xi32, #tpu.memory_space<smem>>
      %get3A_153 = arith.constant 14 : i32
      %get3A_154 = arith.index_cast %get3A_153 : i32 to index
      %get3A_155 = memref.load %arg5[%get3A_154] : memref<16xi32, #tpu.memory_space<smem>>
      %get3A_156 = arith.constant 15 : i32
      %get3A_157 = arith.index_cast %get3A_156 : i32 to index
      %get3A_158 = memref.load %arg5[%get3A_157] : memref<16xi32, #tpu.memory_space<smem>>
      %add3A_159 = arith.addi %mul3A_2, %multiple_of3A : i32
      %add3A_160 = arith.constant 0 : i32
      %add3A_161 = arith.addi %add3A_159, %add3A_160 : i32
      %multiple_of3A_162 = tpu.assume_multiple %add3A_161, 8 : i32
      %shift_right_arithmetic3A = arith.constant 7 : i32
      %shift_right_arithmetic3A_163 = arith.shrsi %get3A_113, %shift_right_arithmetic3A : i32
      %shift_left3A = arith.constant 7 : i32
      %shift_left3A_164 = arith.shli %shift_right_arithmetic3A_163, %shift_left3A : i32
      %multiple_of3A_165 = tpu.assume_multiple %shift_left3A_164, 128 : i32
      %dma_start3A = arith.constant 0 : i32
      %dma_start3A_166 = arith.constant 0 : i32
      %dma_start3A_167 = arith.constant 0 : i32
      %dma_start3A_168 = tpu.memref_slice %arg7[%dma_start3A, %dma_start3A_166, %dma_start3A_167] : memref<16x8x128xf32, #tpu.memory_space<vmem>> -> memref<1x8x128xf32, #tpu.memory_space<vmem>>
      %dma_start3A_169 = tpu.memref_squeeze %dma_start3A_168 : memref<1x8x128xf32, #tpu.memory_space<vmem>> -> memref<8x128xf32, #tpu.memory_space<vmem>>
      %dma_start3A_170 = tpu.memref_slice %arg2[%multiple_of3A_162, %multiple_of3A_165] : memref<4096x32768xf32, #tpu.memory_space<hbm>> -> memref<8x128xf32, #tpu.memory_space<hbm>>
      %dma_start3A_171 = arith.constant 0 : i32
      %dma_start3A_172 = arith.constant 0 : i32
      %dma_start3A_173 = tpu.memref_slice %arg7[%dma_start3A, %dma_start3A_171, %dma_start3A_172] : memref<16x8x128xf32, #tpu.memory_space<vmem>> -> memref<1x8x128xf32, #tpu.memory_space<vmem>>
      %dma_start3A_174 = tpu.memref_squeeze %dma_start3A_173 : memref<1x8x128xf32, #tpu.memory_space<vmem>> -> memref<8x128xf32, #tpu.memory_space<vmem>>
      %dma_start3A_175 = tpu.memref_slice %arg2[%multiple_of3A_162, %multiple_of3A_165] : memref<4096x32768xf32, #tpu.memory_space<hbm>> -> memref<8x128xf32, #tpu.memory_space<hbm>>
      tpu.enqueue_dma source(%dma_start3A_175 : memref<8x128xf32, #tpu.memory_space<hbm>>) target(%dma_start3A_174 : memref<8x128xf32, #tpu.memory_space<vmem>>) target_semaphore(%arg9 : memref<!tpu.dma_semaphore, #tpu.memory_space<semaphore_mem>>)
      %add3A_176 = arith.addi %mul3A_2, %multiple_of3A : i32
      %add3A_177 = arith.constant 0 : i32
      %add3A_178 = arith.addi %add3A_176, %add3A_177 : i32
      %multiple_of3A_179 = tpu.assume_multiple %add3A_178, 8 : i32
      %shift_right_arithmetic3A_180 = arith.constant 7 : i32
      %shift_right_arithmetic3A_181 = arith.shrsi %get3A_116, %shift_right_arithmetic3A_180 : i32
      %shift_left3A_182 = arith.constant 7 : i32
      %shift_left3A_183 = arith.shli %shift_right_arithmetic3A_181, %shift_left3A_182 : i32
      %multiple_of3A_184 = tpu.assume_multiple %shift_left3A_183, 128 : i32
      %dma_start3A_185 = arith.constant 1 : i32
      %dma_start3A_186 = arith.constant 0 : i32
      %dma_start3A_187 = arith.constant 0 : i32
      %dma_start3A_188 = tpu.memref_slice %arg7[%dma_start3A_185, %dma_start3A_186, %dma_start3A_187] : memref<16x8x128xf32, #tpu.memory_space<vmem>> -> memref<1x8x128xf32, #tpu.memory_space<vmem>>
      %dma_start3A_189 = tpu.memref_squeeze %dma_start3A_188 : memref<1x8x128xf32, #tpu.memory_space<vmem>> -> memref<8x128xf32, #tpu.memory_space<vmem>>
      %dma_start3A_190 = tpu.memref_slice %arg2[%multiple_of3A_179, %multiple_of3A_184] : memref<4096x32768xf32, #tpu.memory_space<hbm>> -> memref<8x128xf32, #tpu.memory_space<hbm>>
      %dma_start3A_191 = arith.constant 0 : i32
      %dma_start3A_192 = arith.constant 0 : i32
      %dma_start3A_193 = tpu.memref_slice %arg7[%dma_start3A_185, %dma_start3A_191, %dma_start3A_192] : memref<16x8x128xf32, #tpu.memory_space<vmem>> -> memref<1x8x128xf32, #tpu.memory_space<vmem>>
      %dma_start3A_194 = tpu.memref_squeeze %dma_start3A_193 : memref<1x8x128xf32, #tpu.memory_space<vmem>> -> memref<8x128xf32, #tpu.memory_space<vmem>>
      %dma_start3A_195 = tpu.memref_slice %arg2[%multiple_of3A_179, %multiple_of3A_184] : memref<4096x32768xf32, #tpu.memory_space<hbm>> -> memref<8x128xf32, #tpu.memory_space<hbm>>
      tpu.enqueue_dma source(%dma_start3A_195 : memref<8x128xf32, #tpu.memory_space<hbm>>) target(%dma_start3A_194 : memref<8x128xf32, #tpu.memory_space<vmem>>) target_semaphore(%arg9 : memref<!tpu.dma_semaphore, #tpu.memory_space<semaphore_mem>>)
      %add3A_196 = arith.addi %mul3A_2, %multiple_of3A : i32
      %add3A_197 = arith.constant 0 : i32
      %add3A_198 = arith.addi %add3A_196, %add3A_197 : i32
      %multiple_of3A_199 = tpu.assume_multiple %add3A_198, 8 : i32
      %shift_right_arithmetic3A_200 = arith.constant 7 : i32
      %shift_right_arithmetic3A_201 = arith.shrsi %get3A_119, %shift_right_arithmetic3A_200 : i32
      %shift_left3A_202 = arith.constant 7 : i32
      %shift_left3A_203 = arith.shli %shift_right_arithmetic3A_201, %shift_left3A_202 : i32
      %multiple_of3A_204 = tpu.assume_multiple %shift_left3A_203, 128 : i32
      %dma_start3A_205 = arith.constant 2 : i32
      %dma_start3A_206 = arith.constant 0 : i32
      %dma_start3A_207 = arith.constant 0 : i32
      %dma_start3A_208 = tpu.memref_slice %arg7[%dma_start3A_205, %dma_start3A_206, %dma_start3A_207] : memref<16x8x128xf32, #tpu.memory_space<vmem>> -> memref<1x8x128xf32, #tpu.memory_space<vmem>>
      %dma_start3A_209 = tpu.memref_squeeze %dma_start3A_208 : memref<1x8x128xf32, #tpu.memory_space<vmem>> -> memref<8x128xf32, #tpu.memory_space<vmem>>
      %dma_start3A_210 = tpu.memref_slice %arg2[%multiple_of3A_199, %multiple_of3A_204] : memref<4096x32768xf32, #tpu.memory_space<hbm>> -> memref<8x128xf32, #tpu.memory_space<hbm>>
      %dma_start3A_211 = arith.constant 0 : i32
      %dma_start3A_212 = arith.constant 0 : i32
      %dma_start3A_213 = tpu.memref_slice %arg7[%dma_start3A_205, %dma_start3A_211, %dma_start3A_212] : memref<16x8x128xf32, #tpu.memory_space<vmem>> -> memref<1x8x128xf32, #tpu.memory_space<vmem>>
      %dma_start3A_214 = tpu.memref_squeeze %dma_start3A_213 : memref<1x8x128xf32, #tpu.memory_space<vmem>> -> memref<8x128xf32, #tpu.memory_space<vmem>>
      %dma_start3A_215 = tpu.memref_slice %arg2[%multiple_of3A_199, %multiple_of3A_204] : memref<4096x32768xf32, #tpu.memory_space<hbm>> -> memref<8x128xf32, #tpu.memory_space<hbm>>
      tpu.enqueue_dma source(%dma_start3A_215 : memref<8x128xf32, #tpu.memory_space<hbm>>) target(%dma_start3A_214 : memref<8x128xf32, #tpu.memory_space<vmem>>) target_semaphore(%arg9 : memref<!tpu.dma_semaphore, #tpu.memory_space<semaphore_mem>>)
      %add3A_216 = arith.addi %mul3A_2, %multiple_of3A : i32
      %add3A_217 = arith.constant 0 : i32
      %add3A_218 = arith.addi %add3A_216, %add3A_217 : i32
      %multiple_of3A_219 = tpu.assume_multiple %add3A_218, 8 : i32
      %shift_right_arithmetic3A_220 = arith.constant 7 : i32
      %shift_right_arithmetic3A_221 = arith.shrsi %get3A_122, %shift_right_arithmetic3A_220 : i32
      %shift_left3A_222 = arith.constant 7 : i32
      %shift_left3A_223 = arith.shli %shift_right_arithmetic3A_221, %shift_left3A_222 : i32
      %multiple_of3A_224 = tpu.assume_multiple %shift_left3A_223, 128 : i32
      %dma_start3A_225 = arith.constant 3 : i32
      %dma_start3A_226 = arith.constant 0 : i32
      %dma_start3A_227 = arith.constant 0 : i32
      %dma_start3A_228 = tpu.memref_slice %arg7[%dma_start3A_225, %dma_start3A_226, %dma_start3A_227] : memref<16x8x128xf32, #tpu.memory_space<vmem>> -> memref<1x8x128xf32, #tpu.memory_space<vmem>>
      %dma_start3A_229 = tpu.memref_squeeze %dma_start3A_228 : memref<1x8x128xf32, #tpu.memory_space<vmem>> -> memref<8x128xf32, #tpu.memory_space<vmem>>
      %dma_start3A_230 = tpu.memref_slice %arg2[%multiple_of3A_219, %multiple_of3A_224] : memref<4096x32768xf32, #tpu.memory_space<hbm>> -> memref<8x128xf32, #tpu.memory_space<hbm>>
      %dma_start3A_231 = arith.constant 0 : i32
      %dma_start3A_232 = arith.constant 0 : i32
      %dma_start3A_233 = tpu.memref_slice %arg7[%dma_start3A_225, %dma_start3A_231, %dma_start3A_232] : memref<16x8x128xf32, #tpu.memory_space<vmem>> -> memref<1x8x128xf32, #tpu.memory_space<vmem>>
      %dma_start3A_234 = tpu.memref_squeeze %dma_start3A_233 : memref<1x8x128xf32, #tpu.memory_space<vmem>> -> memref<8x128xf32, #tpu.memory_space<vmem>>
      %dma_start3A_235 = tpu.memref_slice %arg2[%multiple_of3A_219, %multiple_of3A_224] : memref<4096x32768xf32, #tpu.memory_space<hbm>> -> memref<8x128xf32, #tpu.memory_space<hbm>>
      tpu.enqueue_dma source(%dma_start3A_235 : memref<8x128xf32, #tpu.memory_space<hbm>>) target(%dma_start3A_234 : memref<8x128xf32, #tpu.memory_space<vmem>>) target_semaphore(%arg9 : memref<!tpu.dma_semaphore, #tpu.memory_space<semaphore_mem>>)
      %add3A_236 = arith.addi %mul3A_2, %multiple_of3A : i32
      %add3A_237 = arith.constant 0 : i32
      %add3A_238 = arith.addi %add3A_236, %add3A_237 : i32
      %multiple_of3A_239 = tpu.assume_multiple %add3A_238, 8 : i32
      %shift_right_arithmetic3A_240 = arith.constant 7 : i32
      %shift_right_arithmetic3A_241 = arith.shrsi %get3A_125, %shift_right_arithmetic3A_240 : i32
      %shift_left3A_242 = arith.constant 7 : i32
      %shift_left3A_243 = arith.shli %shift_right_arithmetic3A_241, %shift_left3A_242 : i32
      %multiple_of3A_244 = tpu.assume_multiple %shift_left3A_243, 128 : i32
      %dma_start3A_245 = arith.constant 4 : i32
      %dma_start3A_246 = arith.constant 0 : i32
      %dma_start3A_247 = arith.constant 0 : i32
      %dma_start3A_248 = tpu.memref_slice %arg7[%dma_start3A_245, %dma_start3A_246, %dma_start3A_247] : memref<16x8x128xf32, #tpu.memory_space<vmem>> -> memref<1x8x128xf32, #tpu.memory_space<vmem>>
      %dma_start3A_249 = tpu.memref_squeeze %dma_start3A_248 : memref<1x8x128xf32, #tpu.memory_space<vmem>> -> memref<8x128xf32, #tpu.memory_space<vmem>>
      %dma_start3A_250 = tpu.memref_slice %arg2[%multiple_of3A_239, %multiple_of3A_244] : memref<4096x32768xf32, #tpu.memory_space<hbm>> -> memref<8x128xf32, #tpu.memory_space<hbm>>
      %dma_start3A_251 = arith.constant 0 : i32
      %dma_start3A_252 = arith.constant 0 : i32
      %dma_start3A_253 = tpu.memref_slice %arg7[%dma_start3A_245, %dma_start3A_251, %dma_start3A_252] : memref<16x8x128xf32, #tpu.memory_space<vmem>> -> memref<1x8x128xf32, #tpu.memory_space<vmem>>
      %dma_start3A_254 = tpu.memref_squeeze %dma_start3A_253 : memref<1x8x128xf32, #tpu.memory_space<vmem>> -> memref<8x128xf32, #tpu.memory_space<vmem>>
      %dma_start3A_255 = tpu.memref_slice %arg2[%multiple_of3A_239, %multiple_of3A_244] : memref<4096x32768xf32, #tpu.memory_space<hbm>> -> memref<8x128xf32, #tpu.memory_space<hbm>>
      tpu.enqueue_dma source(%dma_start3A_255 : memref<8x128xf32, #tpu.memory_space<hbm>>) target(%dma_start3A_254 : memref<8x128xf32, #tpu.memory_space<vmem>>) target_semaphore(%arg9 : memref<!tpu.dma_semaphore, #tpu.memory_space<semaphore_mem>>)
      %add3A_256 = arith.addi %mul3A_2, %multiple_of3A : i32
      %add3A_257 = arith.constant 0 : i32
      %add3A_258 = arith.addi %add3A_256, %add3A_257 : i32
      %multiple_of3A_259 = tpu.assume_multiple %add3A_258, 8 : i32
      %shift_right_arithmetic3A_260 = arith.constant 7 : i32
      %shift_right_arithmetic3A_261 = arith.shrsi %get3A_128, %shift_right_arithmetic3A_260 : i32
      %shift_left3A_262 = arith.constant 7 : i32
      %shift_left3A_263 = arith.shli %shift_right_arithmetic3A_261, %shift_left3A_262 : i32
      %multiple_of3A_264 = tpu.assume_multiple %shift_left3A_263, 128 : i32
      %dma_start3A_265 = arith.constant 5 : i32
      %dma_start3A_266 = arith.constant 0 : i32
      %dma_start3A_267 = arith.constant 0 : i32
      %dma_start3A_268 = tpu.memref_slice %arg7[%dma_start3A_265, %dma_start3A_266, %dma_start3A_267] : memref<16x8x128xf32, #tpu.memory_space<vmem>> -> memref<1x8x128xf32, #tpu.memory_space<vmem>>
      %dma_start3A_269 = tpu.memref_squeeze %dma_start3A_268 : memref<1x8x128xf32, #tpu.memory_space<vmem>> -> memref<8x128xf32, #tpu.memory_space<vmem>>
      %dma_start3A_270 = tpu.memref_slice %arg2[%multiple_of3A_259, %multiple_of3A_264] : memref<4096x32768xf32, #tpu.memory_space<hbm>> -> memref<8x128xf32, #tpu.memory_space<hbm>>
      %dma_start3A_271 = arith.constant 0 : i32
      %dma_start3A_272 = arith.constant 0 : i32
      %dma_start3A_273 = tpu.memref_slice %arg7[%dma_start3A_265, %dma_start3A_271, %dma_start3A_272] : memref<16x8x128xf32, #tpu.memory_space<vmem>> -> memref<1x8x128xf32, #tpu.memory_space<vmem>>
      %dma_start3A_274 = tpu.memref_squeeze %dma_start3A_273 : memref<1x8x128xf32, #tpu.memory_space<vmem>> -> memref<8x128xf32, #tpu.memory_space<vmem>>
      %dma_start3A_275 = tpu.memref_slice %arg2[%multiple_of3A_259, %multiple_of3A_264] : memref<4096x32768xf32, #tpu.memory_space<hbm>> -> memref<8x128xf32, #tpu.memory_space<hbm>>
      tpu.enqueue_dma source(%dma_start3A_275 : memref<8x128xf32, #tpu.memory_space<hbm>>) target(%dma_start3A_274 : memref<8x128xf32, #tpu.memory_space<vmem>>) target_semaphore(%arg9 : memref<!tpu.dma_semaphore, #tpu.memory_space<semaphore_mem>>)
      %add3A_276 = arith.addi %mul3A_2, %multiple_of3A : i32
      %add3A_277 = arith.constant 0 : i32
      %add3A_278 = arith.addi %add3A_276, %add3A_277 : i32
      %multiple_of3A_279 = tpu.assume_multiple %add3A_278, 8 : i32
      %shift_right_arithmetic3A_280 = arith.constant 7 : i32
      %shift_right_arithmetic3A_281 = arith.shrsi %get3A_131, %shift_right_arithmetic3A_280 : i32
      %shift_left3A_282 = arith.constant 7 : i32
      %shift_left3A_283 = arith.shli %shift_right_arithmetic3A_281, %shift_left3A_282 : i32
      %multiple_of3A_284 = tpu.assume_multiple %shift_left3A_283, 128 : i32
      %dma_start3A_285 = arith.constant 6 : i32
      %dma_start3A_286 = arith.constant 0 : i32
      %dma_start3A_287 = arith.constant 0 : i32
      %dma_start3A_288 = tpu.memref_slice %arg7[%dma_start3A_285, %dma_start3A_286, %dma_start3A_287] : memref<16x8x128xf32, #tpu.memory_space<vmem>> -> memref<1x8x128xf32, #tpu.memory_space<vmem>>
      %dma_start3A_289 = tpu.memref_squeeze %dma_start3A_288 : memref<1x8x128xf32, #tpu.memory_space<vmem>> -> memref<8x128xf32, #tpu.memory_space<vmem>>
      %dma_start3A_290 = tpu.memref_slice %arg2[%multiple_of3A_279, %multiple_of3A_284] : memref<4096x32768xf32, #tpu.memory_space<hbm>> -> memref<8x128xf32, #tpu.memory_space<hbm>>
      %dma_start3A_291 = arith.constant 0 : i32
      %dma_start3A_292 = arith.constant 0 : i32
      %dma_start3A_293 = tpu.memref_slice %arg7[%dma_start3A_285, %dma_start3A_291, %dma_start3A_292] : memref<16x8x128xf32, #tpu.memory_space<vmem>> -> memref<1x8x128xf32, #tpu.memory_space<vmem>>
      %dma_start3A_294 = tpu.memref_squeeze %dma_start3A_293 : memref<1x8x128xf32, #tpu.memory_space<vmem>> -> memref<8x128xf32, #tpu.memory_space<vmem>>
      %dma_start3A_295 = tpu.memref_slice %arg2[%multiple_of3A_279, %multiple_of3A_284] : memref<4096x32768xf32, #tpu.memory_space<hbm>> -> memref<8x128xf32, #tpu.memory_space<hbm>>
      tpu.enqueue_dma source(%dma_start3A_295 : memref<8x128xf32, #tpu.memory_space<hbm>>) target(%dma_start3A_294 : memref<8x128xf32, #tpu.memory_space<vmem>>) target_semaphore(%arg9 : memref<!tpu.dma_semaphore, #tpu.memory_space<semaphore_mem>>)
      %add3A_296 = arith.addi %mul3A_2, %multiple_of3A : i32
      %add3A_297 = arith.constant 0 : i32
      %add3A_298 = arith.addi %add3A_296, %add3A_297 : i32
      %multiple_of3A_299 = tpu.assume_multiple %add3A_298, 8 : i32
      %shift_right_arithmetic3A_300 = arith.constant 7 : i32
      %shift_right_arithmetic3A_301 = arith.shrsi %get3A_134, %shift_right_arithmetic3A_300 : i32
      %shift_left3A_302 = arith.constant 7 : i32
      %shift_left3A_303 = arith.shli %shift_right_arithmetic3A_301, %shift_left3A_302 : i32
      %multiple_of3A_304 = tpu.assume_multiple %shift_left3A_303, 128 : i32
      %dma_start3A_305 = arith.constant 7 : i32
      %dma_start3A_306 = arith.constant 0 : i32
      %dma_start3A_307 = arith.constant 0 : i32
      %dma_start3A_308 = tpu.memref_slice %arg7[%dma_start3A_305, %dma_start3A_306, %dma_start3A_307] : memref<16x8x128xf32, #tpu.memory_space<vmem>> -> memref<1x8x128xf32, #tpu.memory_space<vmem>>
      %dma_start3A_309 = tpu.memref_squeeze %dma_start3A_308 : memref<1x8x128xf32, #tpu.memory_space<vmem>> -> memref<8x128xf32, #tpu.memory_space<vmem>>
      %dma_start3A_310 = tpu.memref_slice %arg2[%multiple_of3A_299, %multiple_of3A_304] : memref<4096x32768xf32, #tpu.memory_space<hbm>> -> memref<8x128xf32, #tpu.memory_space<hbm>>
      %dma_start3A_311 = arith.constant 0 : i32
      %dma_start3A_312 = arith.constant 0 : i32
      %dma_start3A_313 = tpu.memref_slice %arg7[%dma_start3A_305, %dma_start3A_311, %dma_start3A_312] : memref<16x8x128xf32, #tpu.memory_space<vmem>> -> memref<1x8x128xf32, #tpu.memory_space<vmem>>
      %dma_start3A_314 = tpu.memref_squeeze %dma_start3A_313 : memref<1x8x128xf32, #tpu.memory_space<vmem>> -> memref<8x128xf32, #tpu.memory_space<vmem>>
      %dma_start3A_315 = tpu.memref_slice %arg2[%multiple_of3A_299, %multiple_of3A_304] : memref<4096x32768xf32, #tpu.memory_space<hbm>> -> memref<8x128xf32, #tpu.memory_space<hbm>>
      tpu.enqueue_dma source(%dma_start3A_315 : memref<8x128xf32, #tpu.memory_space<hbm>>) target(%dma_start3A_314 : memref<8x128xf32, #tpu.memory_space<vmem>>) target_semaphore(%arg9 : memref<!tpu.dma_semaphore, #tpu.memory_space<semaphore_mem>>)
      %add3A_316 = arith.addi %mul3A_2, %multiple_of3A : i32
      %add3A_317 = arith.constant 8 : i32
      %add3A_318 = arith.addi %add3A_316, %add3A_317 : i32
      %multiple_of3A_319 = tpu.assume_multiple %add3A_318, 8 : i32
      %shift_right_arithmetic3A_320 = arith.constant 7 : i32
      %shift_right_arithmetic3A_321 = arith.shrsi %get3A_137, %shift_right_arithmetic3A_320 : i32
      %shift_left3A_322 = arith.constant 7 : i32
      %shift_left3A_323 = arith.shli %shift_right_arithmetic3A_321, %shift_left3A_322 : i32
      %multiple_of3A_324 = tpu.assume_multiple %shift_left3A_323, 128 : i32
      %dma_start3A_325 = arith.constant 8 : i32
      %dma_start3A_326 = arith.constant 0 : i32
      %dma_start3A_327 = arith.constant 0 : i32
      %dma_start3A_328 = tpu.memref_slice %arg7[%dma_start3A_325, %dma_start3A_326, %dma_start3A_327] : memref<16x8x128xf32, #tpu.memory_space<vmem>> -> memref<1x8x128xf32, #tpu.memory_space<vmem>>
      %dma_start3A_329 = tpu.memref_squeeze %dma_start3A_328 : memref<1x8x128xf32, #tpu.memory_space<vmem>> -> memref<8x128xf32, #tpu.memory_space<vmem>>
      %dma_start3A_330 = tpu.memref_slice %arg2[%multiple_of3A_319, %multiple_of3A_324] : memref<4096x32768xf32, #tpu.memory_space<hbm>> -> memref<8x128xf32, #tpu.memory_space<hbm>>
      %dma_start3A_331 = arith.constant 0 : i32
      %dma_start3A_332 = arith.constant 0 : i32
      %dma_start3A_333 = tpu.memref_slice %arg7[%dma_start3A_325, %dma_start3A_331, %dma_start3A_332] : memref<16x8x128xf32, #tpu.memory_space<vmem>> -> memref<1x8x128xf32, #tpu.memory_space<vmem>>
      %dma_start3A_334 = tpu.memref_squeeze %dma_start3A_333 : memref<1x8x128xf32, #tpu.memory_space<vmem>> -> memref<8x128xf32, #tpu.memory_space<vmem>>
      %dma_start3A_335 = tpu.memref_slice %arg2[%multiple_of3A_319, %multiple_of3A_324] : memref<4096x32768xf32, #tpu.memory_space<hbm>> -> memref<8x128xf32, #tpu.memory_space<hbm>>
      tpu.enqueue_dma source(%dma_start3A_335 : memref<8x128xf32, #tpu.memory_space<hbm>>) target(%dma_start3A_334 : memref<8x128xf32, #tpu.memory_space<vmem>>) target_semaphore(%arg9 : memref<!tpu.dma_semaphore, #tpu.memory_space<semaphore_mem>>)
      %add3A_336 = arith.addi %mul3A_2, %multiple_of3A : i32
      %add3A_337 = arith.constant 8 : i32
      %add3A_338 = arith.addi %add3A_336, %add3A_337 : i32
      %multiple_of3A_339 = tpu.assume_multiple %add3A_338, 8 : i32
      %shift_right_arithmetic3A_340 = arith.constant 7 : i32
      %shift_right_arithmetic3A_341 = arith.shrsi %get3A_140, %shift_right_arithmetic3A_340 : i32
      %shift_left3A_342 = arith.constant 7 : i32
      %shift_left3A_343 = arith.shli %shift_right_arithmetic3A_341, %shift_left3A_342 : i32
      %multiple_of3A_344 = tpu.assume_multiple %shift_left3A_343, 128 : i32
      %dma_start3A_345 = arith.constant 9 : i32
      %dma_start3A_346 = arith.constant 0 : i32
      %dma_start3A_347 = arith.constant 0 : i32
      %dma_start3A_348 = tpu.memref_slice %arg7[%dma_start3A_345, %dma_start3A_346, %dma_start3A_347] : memref<16x8x128xf32, #tpu.memory_space<vmem>> -> memref<1x8x128xf32, #tpu.memory_space<vmem>>
      %dma_start3A_349 = tpu.memref_squeeze %dma_start3A_348 : memref<1x8x128xf32, #tpu.memory_space<vmem>> -> memref<8x128xf32, #tpu.memory_space<vmem>>
      %dma_start3A_350 = tpu.memref_slice %arg2[%multiple_of3A_339, %multiple_of3A_344] : memref<4096x32768xf32, #tpu.memory_space<hbm>> -> memref<8x128xf32, #tpu.memory_space<hbm>>
      %dma_start3A_351 = arith.constant 0 : i32
      %dma_start3A_352 = arith.constant 0 : i32
      %dma_start3A_353 = tpu.memref_slice %arg7[%dma_start3A_345, %dma_start3A_351, %dma_start3A_352] : memref<16x8x128xf32, #tpu.memory_space<vmem>> -> memref<1x8x128xf32, #tpu.memory_space<vmem>>
      %dma_start3A_354 = tpu.memref_squeeze %dma_start3A_353 : memref<1x8x128xf32, #tpu.memory_space<vmem>> -> memref<8x128xf32, #tpu.memory_space<vmem>>
      %dma_start3A_355 = tpu.memref_slice %arg2[%multiple_of3A_339, %multiple_of3A_344] : memref<4096x32768xf32, #tpu.memory_space<hbm>> -> memref<8x128xf32, #tpu.memory_space<hbm>>
      tpu.enqueue_dma source(%dma_start3A_355 : memref<8x128xf32, #tpu.memory_space<hbm>>) target(%dma_start3A_354 : memref<8x128xf32, #tpu.memory_space<vmem>>) target_semaphore(%arg9 : memref<!tpu.dma_semaphore, #tpu.memory_space<semaphore_mem>>)
      %add3A_356 = arith.addi %mul3A_2, %multiple_of3A : i32
      %add3A_357 = arith.constant 8 : i32
      %add3A_358 = arith.addi %add3A_356, %add3A_357 : i32
      %multiple_of3A_359 = tpu.assume_multiple %add3A_358, 8 : i32
      %shift_right_arithmetic3A_360 = arith.constant 7 : i32
      %shift_right_arithmetic3A_361 = arith.shrsi %get3A_143, %shift_right_arithmetic3A_360 : i32
      %shift_left3A_362 = arith.constant 7 : i32
      %shift_left3A_363 = arith.shli %shift_right_arithmetic3A_361, %shift_left3A_362 : i32
      %multiple_of3A_364 = tpu.assume_multiple %shift_left3A_363, 128 : i32
      %dma_start3A_365 = arith.constant 10 : i32
      %dma_start3A_366 = arith.constant 0 : i32
      %dma_start3A_367 = arith.constant 0 : i32
      %dma_start3A_368 = tpu.memref_slice %arg7[%dma_start3A_365, %dma_start3A_366, %dma_start3A_367] : memref<16x8x128xf32, #tpu.memory_space<vmem>> -> memref<1x8x128xf32, #tpu.memory_space<vmem>>
      %dma_start3A_369 = tpu.memref_squeeze %dma_start3A_368 : memref<1x8x128xf32, #tpu.memory_space<vmem>> -> memref<8x128xf32, #tpu.memory_space<vmem>>
      %dma_start3A_370 = tpu.memref_slice %arg2[%multiple_of3A_359, %multiple_of3A_364] : memref<4096x32768xf32, #tpu.memory_space<hbm>> -> memref<8x128xf32, #tpu.memory_space<hbm>>
      %dma_start3A_371 = arith.constant 0 : i32
      %dma_start3A_372 = arith.constant 0 : i32
      %dma_start3A_373 = tpu.memref_slice %arg7[%dma_start3A_365, %dma_start3A_371, %dma_start3A_372] : memref<16x8x128xf32, #tpu.memory_space<vmem>> -> memref<1x8x128xf32, #tpu.memory_space<vmem>>
      %dma_start3A_374 = tpu.memref_squeeze %dma_start3A_373 : memref<1x8x128xf32, #tpu.memory_space<vmem>> -> memref<8x128xf32, #tpu.memory_space<vmem>>
      %dma_start3A_375 = tpu.memref_slice %arg2[%multiple_of3A_359, %multiple_of3A_364] : memref<4096x32768xf32, #tpu.memory_space<hbm>> -> memref<8x128xf32, #tpu.memory_space<hbm>>
      tpu.enqueue_dma source(%dma_start3A_375 : memref<8x128xf32, #tpu.memory_space<hbm>>) target(%dma_start3A_374 : memref<8x128xf32, #tpu.memory_space<vmem>>) target_semaphore(%arg9 : memref<!tpu.dma_semaphore, #tpu.memory_space<semaphore_mem>>)
      %add3A_376 = arith.addi %mul3A_2, %multiple_of3A : i32
      %add3A_377 = arith.constant 8 : i32
      %add3A_378 = arith.addi %add3A_376, %add3A_377 : i32
      %multiple_of3A_379 = tpu.assume_multiple %add3A_378, 8 : i32
      %shift_right_arithmetic3A_380 = arith.constant 7 : i32
      %shift_right_arithmetic3A_381 = arith.shrsi %get3A_146, %shift_right_arithmetic3A_380 : i32
      %shift_left3A_382 = arith.constant 7 : i32
      %shift_left3A_383 = arith.shli %shift_right_arithmetic3A_381, %shift_left3A_382 : i32
      %multiple_of3A_384 = tpu.assume_multiple %shift_left3A_383, 128 : i32
      %dma_start3A_385 = arith.constant 11 : i32
      %dma_start3A_386 = arith.constant 0 : i32
      %dma_start3A_387 = arith.constant 0 : i32
      %dma_start3A_388 = tpu.memref_slice %arg7[%dma_start3A_385, %dma_start3A_386, %dma_start3A_387] : memref<16x8x128xf32, #tpu.memory_space<vmem>> -> memref<1x8x128xf32, #tpu.memory_space<vmem>>
      %dma_start3A_389 = tpu.memref_squeeze %dma_start3A_388 : memref<1x8x128xf32, #tpu.memory_space<vmem>> -> memref<8x128xf32, #tpu.memory_space<vmem>>
      %dma_start3A_390 = tpu.memref_slice %arg2[%multiple_of3A_379, %multiple_of3A_384] : memref<4096x32768xf32, #tpu.memory_space<hbm>> -> memref<8x128xf32, #tpu.memory_space<hbm>>
      %dma_start3A_391 = arith.constant 0 : i32
      %dma_start3A_392 = arith.constant 0 : i32
      %dma_start3A_393 = tpu.memref_slice %arg7[%dma_start3A_385, %dma_start3A_391, %dma_start3A_392] : memref<16x8x128xf32, #tpu.memory_space<vmem>> -> memref<1x8x128xf32, #tpu.memory_space<vmem>>
      %dma_start3A_394 = tpu.memref_squeeze %dma_start3A_393 : memref<1x8x128xf32, #tpu.memory_space<vmem>> -> memref<8x128xf32, #tpu.memory_space<vmem>>
      %dma_start3A_395 = tpu.memref_slice %arg2[%multiple_of3A_379, %multiple_of3A_384] : memref<4096x32768xf32, #tpu.memory_space<hbm>> -> memref<8x128xf32, #tpu.memory_space<hbm>>
      tpu.enqueue_dma source(%dma_start3A_395 : memref<8x128xf32, #tpu.memory_space<hbm>>) target(%dma_start3A_394 : memref<8x128xf32, #tpu.memory_space<vmem>>) target_semaphore(%arg9 : memref<!tpu.dma_semaphore, #tpu.memory_space<semaphore_mem>>)
      %add3A_396 = arith.addi %mul3A_2, %multiple_of3A : i32
      %add3A_397 = arith.constant 8 : i32
      %add3A_398 = arith.addi %add3A_396, %add3A_397 : i32
      %multiple_of3A_399 = tpu.assume_multiple %add3A_398, 8 : i32
      %shift_right_arithmetic3A_400 = arith.constant 7 : i32
      %shift_right_arithmetic3A_401 = arith.shrsi %get3A_149, %shift_right_arithmetic3A_400 : i32
      %shift_left3A_402 = arith.constant 7 : i32
      %shift_left3A_403 = arith.shli %shift_right_arithmetic3A_401, %shift_left3A_402 : i32
      %multiple_of3A_404 = tpu.assume_multiple %shift_left3A_403, 128 : i32
      %dma_start3A_405 = arith.constant 12 : i32
      %dma_start3A_406 = arith.constant 0 : i32
      %dma_start3A_407 = arith.constant 0 : i32
      %dma_start3A_408 = tpu.memref_slice %arg7[%dma_start3A_405, %dma_start3A_406, %dma_start3A_407] : memref<16x8x128xf32, #tpu.memory_space<vmem>> -> memref<1x8x128xf32, #tpu.memory_space<vmem>>
      %dma_start3A_409 = tpu.memref_squeeze %dma_start3A_408 : memref<1x8x128xf32, #tpu.memory_space<vmem>> -> memref<8x128xf32, #tpu.memory_space<vmem>>
      %dma_start3A_410 = tpu.memref_slice %arg2[%multiple_of3A_399, %multiple_of3A_404] : memref<4096x32768xf32, #tpu.memory_space<hbm>> -> memref<8x128xf32, #tpu.memory_space<hbm>>
      %dma_start3A_411 = arith.constant 0 : i32
      %dma_start3A_412 = arith.constant 0 : i32
      %dma_start3A_413 = tpu.memref_slice %arg7[%dma_start3A_405, %dma_start3A_411, %dma_start3A_412] : memref<16x8x128xf32, #tpu.memory_space<vmem>> -> memref<1x8x128xf32, #tpu.memory_space<vmem>>
      %dma_start3A_414 = tpu.memref_squeeze %dma_start3A_413 : memref<1x8x128xf32, #tpu.memory_space<vmem>> -> memref<8x128xf32, #tpu.memory_space<vmem>>
      %dma_start3A_415 = tpu.memref_slice %arg2[%multiple_of3A_399, %multiple_of3A_404] : memref<4096x32768xf32, #tpu.memory_space<hbm>> -> memref<8x128xf32, #tpu.memory_space<hbm>>
      tpu.enqueue_dma source(%dma_start3A_415 : memref<8x128xf32, #tpu.memory_space<hbm>>) target(%dma_start3A_414 : memref<8x128xf32, #tpu.memory_space<vmem>>) target_semaphore(%arg9 : memref<!tpu.dma_semaphore, #tpu.memory_space<semaphore_mem>>)
      %add3A_416 = arith.addi %mul3A_2, %multiple_of3A : i32
      %add3A_417 = arith.constant 8 : i32
      %add3A_418 = arith.addi %add3A_416, %add3A_417 : i32
      %multiple_of3A_419 = tpu.assume_multiple %add3A_418, 8 : i32
      %shift_right_arithmetic3A_420 = arith.constant 7 : i32
      %shift_right_arithmetic3A_421 = arith.shrsi %get3A_152, %shift_right_arithmetic3A_420 : i32
      %shift_left3A_422 = arith.constant 7 : i32
      %shift_left3A_423 = arith.shli %shift_right_arithmetic3A_421, %shift_left3A_422 : i32
      %multiple_of3A_424 = tpu.assume_multiple %shift_left3A_423, 128 : i32
      %dma_start3A_425 = arith.constant 13 : i32
      %dma_start3A_426 = arith.constant 0 : i32
      %dma_start3A_427 = arith.constant 0 : i32
      %dma_start3A_428 = tpu.memref_slice %arg7[%dma_start3A_425, %dma_start3A_426, %dma_start3A_427] : memref<16x8x128xf32, #tpu.memory_space<vmem>> -> memref<1x8x128xf32, #tpu.memory_space<vmem>>
      %dma_start3A_429 = tpu.memref_squeeze %dma_start3A_428 : memref<1x8x128xf32, #tpu.memory_space<vmem>> -> memref<8x128xf32, #tpu.memory_space<vmem>>
      %dma_start3A_430 = tpu.memref_slice %arg2[%multiple_of3A_419, %multiple_of3A_424] : memref<4096x32768xf32, #tpu.memory_space<hbm>> -> memref<8x128xf32, #tpu.memory_space<hbm>>
      %dma_start3A_431 = arith.constant 0 : i32
      %dma_start3A_432 = arith.constant 0 : i32
      %dma_start3A_433 = tpu.memref_slice %arg7[%dma_start3A_425, %dma_start3A_431, %dma_start3A_432] : memref<16x8x128xf32, #tpu.memory_space<vmem>> -> memref<1x8x128xf32, #tpu.memory_space<vmem>>
      %dma_start3A_434 = tpu.memref_squeeze %dma_start3A_433 : memref<1x8x128xf32, #tpu.memory_space<vmem>> -> memref<8x128xf32, #tpu.memory_space<vmem>>
      %dma_start3A_435 = tpu.memref_slice %arg2[%multiple_of3A_419, %multiple_of3A_424] : memref<4096x32768xf32, #tpu.memory_space<hbm>> -> memref<8x128xf32, #tpu.memory_space<hbm>>
      tpu.enqueue_dma source(%dma_start3A_435 : memref<8x128xf32, #tpu.memory_space<hbm>>) target(%dma_start3A_434 : memref<8x128xf32, #tpu.memory_space<vmem>>) target_semaphore(%arg9 : memref<!tpu.dma_semaphore, #tpu.memory_space<semaphore_mem>>)
      %add3A_436 = arith.addi %mul3A_2, %multiple_of3A : i32
      %add3A_437 = arith.constant 8 : i32
      %add3A_438 = arith.addi %add3A_436, %add3A_437 : i32
      %multiple_of3A_439 = tpu.assume_multiple %add3A_438, 8 : i32
      %shift_right_arithmetic3A_440 = arith.constant 7 : i32
      %shift_right_arithmetic3A_441 = arith.shrsi %get3A_155, %shift_right_arithmetic3A_440 : i32
      %shift_left3A_442 = arith.constant 7 : i32
      %shift_left3A_443 = arith.shli %shift_right_arithmetic3A_441, %shift_left3A_442 : i32
      %multiple_of3A_444 = tpu.assume_multiple %shift_left3A_443, 128 : i32
      %dma_start3A_445 = arith.constant 14 : i32
      %dma_start3A_446 = arith.constant 0 : i32
      %dma_start3A_447 = arith.constant 0 : i32
      %dma_start3A_448 = tpu.memref_slice %arg7[%dma_start3A_445, %dma_start3A_446, %dma_start3A_447] : memref<16x8x128xf32, #tpu.memory_space<vmem>> -> memref<1x8x128xf32, #tpu.memory_space<vmem>>
      %dma_start3A_449 = tpu.memref_squeeze %dma_start3A_448 : memref<1x8x128xf32, #tpu.memory_space<vmem>> -> memref<8x128xf32, #tpu.memory_space<vmem>>
      %dma_start3A_450 = tpu.memref_slice %arg2[%multiple_of3A_439, %multiple_of3A_444] : memref<4096x32768xf32, #tpu.memory_space<hbm>> -> memref<8x128xf32, #tpu.memory_space<hbm>>
      %dma_start3A_451 = arith.constant 0 : i32
      %dma_start3A_452 = arith.constant 0 : i32
      %dma_start3A_453 = tpu.memref_slice %arg7[%dma_start3A_445, %dma_start3A_451, %dma_start3A_452] : memref<16x8x128xf32, #tpu.memory_space<vmem>> -> memref<1x8x128xf32, #tpu.memory_space<vmem>>
      %dma_start3A_454 = tpu.memref_squeeze %dma_start3A_453 : memref<1x8x128xf32, #tpu.memory_space<vmem>> -> memref<8x128xf32, #tpu.memory_space<vmem>>
      %dma_start3A_455 = tpu.memref_slice %arg2[%multiple_of3A_439, %multiple_of3A_444] : memref<4096x32768xf32, #tpu.memory_space<hbm>> -> memref<8x128xf32, #tpu.memory_space<hbm>>
      tpu.enqueue_dma source(%dma_start3A_455 : memref<8x128xf32, #tpu.memory_space<hbm>>) target(%dma_start3A_454 : memref<8x128xf32, #tpu.memory_space<vmem>>) target_semaphore(%arg9 : memref<!tpu.dma_semaphore, #tpu.memory_space<semaphore_mem>>)
      %add3A_456 = arith.addi %mul3A_2, %multiple_of3A : i32
      %add3A_457 = arith.constant 8 : i32
      %add3A_458 = arith.addi %add3A_456, %add3A_457 : i32
      %multiple_of3A_459 = tpu.assume_multiple %add3A_458, 8 : i32
      %shift_right_arithmetic3A_460 = arith.constant 7 : i32
      %shift_right_arithmetic3A_461 = arith.shrsi %get3A_158, %shift_right_arithmetic3A_460 : i32
      %shift_left3A_462 = arith.constant 7 : i32
      %shift_left3A_463 = arith.shli %shift_right_arithmetic3A_461, %shift_left3A_462 : i32
      %multiple_of3A_464 = tpu.assume_multiple %shift_left3A_463, 128 : i32
      %dma_start3A_465 = arith.constant 15 : i32
      %dma_start3A_466 = arith.constant 0 : i32
      %dma_start3A_467 = arith.constant 0 : i32
      %dma_start3A_468 = tpu.memref_slice %arg7[%dma_start3A_465, %dma_start3A_466, %dma_start3A_467] : memref<16x8x128xf32, #tpu.memory_space<vmem>> -> memref<1x8x128xf32, #tpu.memory_space<vmem>>
      %dma_start3A_469 = tpu.memref_squeeze %dma_start3A_468 : memref<1x8x128xf32, #tpu.memory_space<vmem>> -> memref<8x128xf32, #tpu.memory_space<vmem>>
      %dma_start3A_470 = tpu.memref_slice %arg2[%multiple_of3A_459, %multiple_of3A_464] : memref<4096x32768xf32, #tpu.memory_space<hbm>> -> memref<8x128xf32, #tpu.memory_space<hbm>>
      %dma_start3A_471 = arith.constant 0 : i32
      %dma_start3A_472 = arith.constant 0 : i32
      %dma_start3A_473 = tpu.memref_slice %arg7[%dma_start3A_465, %dma_start3A_471, %dma_start3A_472] : memref<16x8x128xf32, #tpu.memory_space<vmem>> -> memref<1x8x128xf32, #tpu.memory_space<vmem>>
      %dma_start3A_474 = tpu.memref_squeeze %dma_start3A_473 : memref<1x8x128xf32, #tpu.memory_space<vmem>> -> memref<8x128xf32, #tpu.memory_space<vmem>>
      %dma_start3A_475 = tpu.memref_slice %arg2[%multiple_of3A_459, %multiple_of3A_464] : memref<4096x32768xf32, #tpu.memory_space<hbm>> -> memref<8x128xf32, #tpu.memory_space<hbm>>
      tpu.enqueue_dma source(%dma_start3A_475 : memref<8x128xf32, #tpu.memory_space<hbm>>) target(%dma_start3A_474 : memref<8x128xf32, #tpu.memory_space<vmem>>) target_semaphore(%arg9 : memref<!tpu.dma_semaphore, #tpu.memory_space<semaphore_mem>>)
      %dma_wait3A = arith.constant 0 : i32
      %dma_wait3A_476 = arith.constant 0 : i32
      %dma_wait3A_477 = arith.constant 0 : i32
      %dma_wait3A_478 = tpu.memref_slice %arg7[%dma_wait3A, %dma_wait3A_476, %dma_wait3A_477] : memref<16x8x128xf32, #tpu.memory_space<vmem>> -> memref<1x8x128xf32, #tpu.memory_space<vmem>>
      %dma_wait3A_479 = tpu.memref_squeeze %dma_wait3A_478 : memref<1x8x128xf32, #tpu.memory_space<vmem>> -> memref<8x128xf32, #tpu.memory_space<vmem>>
      %dma_wait3A_480 = tpu.memref_slice %arg2[%multiple_of3A_162, %multiple_of3A_165] : memref<4096x32768xf32, #tpu.memory_space<hbm>> -> memref<8x128xf32, #tpu.memory_space<hbm>>
      %dma_wait3A_481 = arith.constant 0 : i32
      %dma_wait3A_482 = arith.constant 0 : i32
      %dma_wait3A_483 = tpu.memref_slice %arg7[%dma_wait3A, %dma_wait3A_481, %dma_wait3A_482] : memref<16x8x128xf32, #tpu.memory_space<vmem>> -> memref<1x8x128xf32, #tpu.memory_space<vmem>>
      %dma_wait3A_484 = tpu.memref_squeeze %dma_wait3A_483 : memref<1x8x128xf32, #tpu.memory_space<vmem>> -> memref<8x128xf32, #tpu.memory_space<vmem>>
      %dma_wait3A_485 = tpu.memref_slice %arg2[%multiple_of3A_162, %multiple_of3A_165] : memref<4096x32768xf32, #tpu.memory_space<hbm>> -> memref<8x128xf32, #tpu.memory_space<hbm>>
      tpu.wait_dma2 semaphore(%arg9 : memref<!tpu.dma_semaphore, #tpu.memory_space<semaphore_mem>>) src(%dma_wait3A_485 : memref<8x128xf32, #tpu.memory_space<hbm>>) dst(%dma_wait3A_484 : memref<8x128xf32, #tpu.memory_space<vmem>>)
      %dma_wait3A_486 = arith.constant 1 : i32
      %dma_wait3A_487 = arith.constant 0 : i32
      %dma_wait3A_488 = arith.constant 0 : i32
      %dma_wait3A_489 = tpu.memref_slice %arg7[%dma_wait3A_486, %dma_wait3A_487, %dma_wait3A_488] : memref<16x8x128xf32, #tpu.memory_space<vmem>> -> memref<1x8x128xf32, #tpu.memory_space<vmem>>
      %dma_wait3A_490 = tpu.memref_squeeze %dma_wait3A_489 : memref<1x8x128xf32, #tpu.memory_space<vmem>> -> memref<8x128xf32, #tpu.memory_space<vmem>>
      %dma_wait3A_491 = tpu.memref_slice %arg2[%multiple_of3A_179, %multiple_of3A_184] : memref<4096x32768xf32, #tpu.memory_space<hbm>> -> memref<8x128xf32, #tpu.memory_space<hbm>>
      %dma_wait3A_492 = arith.constant 0 : i32
      %dma_wait3A_493 = arith.constant 0 : i32
      %dma_wait3A_494 = tpu.memref_slice %arg7[%dma_wait3A_486, %dma_wait3A_492, %dma_wait3A_493] : memref<16x8x128xf32, #tpu.memory_space<vmem>> -> memref<1x8x128xf32, #tpu.memory_space<vmem>>
      %dma_wait3A_495 = tpu.memref_squeeze %dma_wait3A_494 : memref<1x8x128xf32, #tpu.memory_space<vmem>> -> memref<8x128xf32, #tpu.memory_space<vmem>>
      %dma_wait3A_496 = tpu.memref_slice %arg2[%multiple_of3A_179, %multiple_of3A_184] : memref<4096x32768xf32, #tpu.memory_space<hbm>> -> memref<8x128xf32, #tpu.memory_space<hbm>>
      tpu.wait_dma2 semaphore(%arg9 : memref<!tpu.dma_semaphore, #tpu.memory_space<semaphore_mem>>) src(%dma_wait3A_496 : memref<8x128xf32, #tpu.memory_space<hbm>>) dst(%dma_wait3A_495 : memref<8x128xf32, #tpu.memory_space<vmem>>)
      %dma_wait3A_497 = arith.constant 2 : i32
      %dma_wait3A_498 = arith.constant 0 : i32
      %dma_wait3A_499 = arith.constant 0 : i32
      %dma_wait3A_500 = tpu.memref_slice %arg7[%dma_wait3A_497, %dma_wait3A_498, %dma_wait3A_499] : memref<16x8x128xf32, #tpu.memory_space<vmem>> -> memref<1x8x128xf32, #tpu.memory_space<vmem>>
      %dma_wait3A_501 = tpu.memref_squeeze %dma_wait3A_500 : memref<1x8x128xf32, #tpu.memory_space<vmem>> -> memref<8x128xf32, #tpu.memory_space<vmem>>
      %dma_wait3A_502 = tpu.memref_slice %arg2[%multiple_of3A_199, %multiple_of3A_204] : memref<4096x32768xf32, #tpu.memory_space<hbm>> -> memref<8x128xf32, #tpu.memory_space<hbm>>
      %dma_wait3A_503 = arith.constant 0 : i32
      %dma_wait3A_504 = arith.constant 0 : i32
      %dma_wait3A_505 = tpu.memref_slice %arg7[%dma_wait3A_497, %dma_wait3A_503, %dma_wait3A_504] : memref<16x8x128xf32, #tpu.memory_space<vmem>> -> memref<1x8x128xf32, #tpu.memory_space<vmem>>
      %dma_wait3A_506 = tpu.memref_squeeze %dma_wait3A_505 : memref<1x8x128xf32, #tpu.memory_space<vmem>> -> memref<8x128xf32, #tpu.memory_space<vmem>>
      %dma_wait3A_507 = tpu.memref_slice %arg2[%multiple_of3A_199, %multiple_of3A_204] : memref<4096x32768xf32, #tpu.memory_space<hbm>> -> memref<8x128xf32, #tpu.memory_space<hbm>>
      tpu.wait_dma2 semaphore(%arg9 : memref<!tpu.dma_semaphore, #tpu.memory_space<semaphore_mem>>) src(%dma_wait3A_507 : memref<8x128xf32, #tpu.memory_space<hbm>>) dst(%dma_wait3A_506 : memref<8x128xf32, #tpu.memory_space<vmem>>)
      %dma_wait3A_508 = arith.constant 3 : i32
      %dma_wait3A_509 = arith.constant 0 : i32
      %dma_wait3A_510 = arith.constant 0 : i32
      %dma_wait3A_511 = tpu.memref_slice %arg7[%dma_wait3A_508, %dma_wait3A_509, %dma_wait3A_510] : memref<16x8x128xf32, #tpu.memory_space<vmem>> -> memref<1x8x128xf32, #tpu.memory_space<vmem>>
      %dma_wait3A_512 = tpu.memref_squeeze %dma_wait3A_511 : memref<1x8x128xf32, #tpu.memory_space<vmem>> -> memref<8x128xf32, #tpu.memory_space<vmem>>
      %dma_wait3A_513 = tpu.memref_slice %arg2[%multiple_of3A_219, %multiple_of3A_224] : memref<4096x32768xf32, #tpu.memory_space<hbm>> -> memref<8x128xf32, #tpu.memory_space<hbm>>
      %dma_wait3A_514 = arith.constant 0 : i32
      %dma_wait3A_515 = arith.constant 0 : i32
      %dma_wait3A_516 = tpu.memref_slice %arg7[%dma_wait3A_508, %dma_wait3A_514, %dma_wait3A_515] : memref<16x8x128xf32, #tpu.memory_space<vmem>> -> memref<1x8x128xf32, #tpu.memory_space<vmem>>
      %dma_wait3A_517 = tpu.memref_squeeze %dma_wait3A_516 : memref<1x8x128xf32, #tpu.memory_space<vmem>> -> memref<8x128xf32, #tpu.memory_space<vmem>>
      %dma_wait3A_518 = tpu.memref_slice %arg2[%multiple_of3A_219, %multiple_of3A_224] : memref<4096x32768xf32, #tpu.memory_space<hbm>> -> memref<8x128xf32, #tpu.memory_space<hbm>>
      tpu.wait_dma2 semaphore(%arg9 : memref<!tpu.dma_semaphore, #tpu.memory_space<semaphore_mem>>) src(%dma_wait3A_518 : memref<8x128xf32, #tpu.memory_space<hbm>>) dst(%dma_wait3A_517 : memref<8x128xf32, #tpu.memory_space<vmem>>)
      %dma_wait3A_519 = arith.constant 4 : i32
      %dma_wait3A_520 = arith.constant 0 : i32
      %dma_wait3A_521 = arith.constant 0 : i32
      %dma_wait3A_522 = tpu.memref_slice %arg7[%dma_wait3A_519, %dma_wait3A_520, %dma_wait3A_521] : memref<16x8x128xf32, #tpu.memory_space<vmem>> -> memref<1x8x128xf32, #tpu.memory_space<vmem>>
      %dma_wait3A_523 = tpu.memref_squeeze %dma_wait3A_522 : memref<1x8x128xf32, #tpu.memory_space<vmem>> -> memref<8x128xf32, #tpu.memory_space<vmem>>
      %dma_wait3A_524 = tpu.memref_slice %arg2[%multiple_of3A_239, %multiple_of3A_244] : memref<4096x32768xf32, #tpu.memory_space<hbm>> -> memref<8x128xf32, #tpu.memory_space<hbm>>
      %dma_wait3A_525 = arith.constant 0 : i32
      %dma_wait3A_526 = arith.constant 0 : i32
      %dma_wait3A_527 = tpu.memref_slice %arg7[%dma_wait3A_519, %dma_wait3A_525, %dma_wait3A_526] : memref<16x8x128xf32, #tpu.memory_space<vmem>> -> memref<1x8x128xf32, #tpu.memory_space<vmem>>
      %dma_wait3A_528 = tpu.memref_squeeze %dma_wait3A_527 : memref<1x8x128xf32, #tpu.memory_space<vmem>> -> memref<8x128xf32, #tpu.memory_space<vmem>>
      %dma_wait3A_529 = tpu.memref_slice %arg2[%multiple_of3A_239, %multiple_of3A_244] : memref<4096x32768xf32, #tpu.memory_space<hbm>> -> memref<8x128xf32, #tpu.memory_space<hbm>>
      tpu.wait_dma2 semaphore(%arg9 : memref<!tpu.dma_semaphore, #tpu.memory_space<semaphore_mem>>) src(%dma_wait3A_529 : memref<8x128xf32, #tpu.memory_space<hbm>>) dst(%dma_wait3A_528 : memref<8x128xf32, #tpu.memory_space<vmem>>)
      %dma_wait3A_530 = arith.constant 5 : i32
      %dma_wait3A_531 = arith.constant 0 : i32
      %dma_wait3A_532 = arith.constant 0 : i32
      %dma_wait3A_533 = tpu.memref_slice %arg7[%dma_wait3A_530, %dma_wait3A_531, %dma_wait3A_532] : memref<16x8x128xf32, #tpu.memory_space<vmem>> -> memref<1x8x128xf32, #tpu.memory_space<vmem>>
      %dma_wait3A_534 = tpu.memref_squeeze %dma_wait3A_533 : memref<1x8x128xf32, #tpu.memory_space<vmem>> -> memref<8x128xf32, #tpu.memory_space<vmem>>
      %dma_wait3A_535 = tpu.memref_slice %arg2[%multiple_of3A_259, %multiple_of3A_264] : memref<4096x32768xf32, #tpu.memory_space<hbm>> -> memref<8x128xf32, #tpu.memory_space<hbm>>
      %dma_wait3A_536 = arith.constant 0 : i32
      %dma_wait3A_537 = arith.constant 0 : i32
      %dma_wait3A_538 = tpu.memref_slice %arg7[%dma_wait3A_530, %dma_wait3A_536, %dma_wait3A_537] : memref<16x8x128xf32, #tpu.memory_space<vmem>> -> memref<1x8x128xf32, #tpu.memory_space<vmem>>
      %dma_wait3A_539 = tpu.memref_squeeze %dma_wait3A_538 : memref<1x8x128xf32, #tpu.memory_space<vmem>> -> memref<8x128xf32, #tpu.memory_space<vmem>>
      %dma_wait3A_540 = tpu.memref_slice %arg2[%multiple_of3A_259, %multiple_of3A_264] : memref<4096x32768xf32, #tpu.memory_space<hbm>> -> memref<8x128xf32, #tpu.memory_space<hbm>>
      tpu.wait_dma2 semaphore(%arg9 : memref<!tpu.dma_semaphore, #tpu.memory_space<semaphore_mem>>) src(%dma_wait3A_540 : memref<8x128xf32, #tpu.memory_space<hbm>>) dst(%dma_wait3A_539 : memref<8x128xf32, #tpu.memory_space<vmem>>)
      %dma_wait3A_541 = arith.constant 6 : i32
      %dma_wait3A_542 = arith.constant 0 : i32
      %dma_wait3A_543 = arith.constant 0 : i32
      %dma_wait3A_544 = tpu.memref_slice %arg7[%dma_wait3A_541, %dma_wait3A_542, %dma_wait3A_543] : memref<16x8x128xf32, #tpu.memory_space<vmem>> -> memref<1x8x128xf32, #tpu.memory_space<vmem>>
      %dma_wait3A_545 = tpu.memref_squeeze %dma_wait3A_544 : memref<1x8x128xf32, #tpu.memory_space<vmem>> -> memref<8x128xf32, #tpu.memory_space<vmem>>
      %dma_wait3A_546 = tpu.memref_slice %arg2[%multiple_of3A_279, %multiple_of3A_284] : memref<4096x32768xf32, #tpu.memory_space<hbm>> -> memref<8x128xf32, #tpu.memory_space<hbm>>
      %dma_wait3A_547 = arith.constant 0 : i32
      %dma_wait3A_548 = arith.constant 0 : i32
      %dma_wait3A_549 = tpu.memref_slice %arg7[%dma_wait3A_541, %dma_wait3A_547, %dma_wait3A_548] : memref<16x8x128xf32, #tpu.memory_space<vmem>> -> memref<1x8x128xf32, #tpu.memory_space<vmem>>
      %dma_wait3A_550 = tpu.memref_squeeze %dma_wait3A_549 : memref<1x8x128xf32, #tpu.memory_space<vmem>> -> memref<8x128xf32, #tpu.memory_space<vmem>>
      %dma_wait3A_551 = tpu.memref_slice %arg2[%multiple_of3A_279, %multiple_of3A_284] : memref<4096x32768xf32, #tpu.memory_space<hbm>> -> memref<8x128xf32, #tpu.memory_space<hbm>>
      tpu.wait_dma2 semaphore(%arg9 : memref<!tpu.dma_semaphore, #tpu.memory_space<semaphore_mem>>) src(%dma_wait3A_551 : memref<8x128xf32, #tpu.memory_space<hbm>>) dst(%dma_wait3A_550 : memref<8x128xf32, #tpu.memory_space<vmem>>)
      %dma_wait3A_552 = arith.constant 7 : i32
      %dma_wait3A_553 = arith.constant 0 : i32
      %dma_wait3A_554 = arith.constant 0 : i32
      %dma_wait3A_555 = tpu.memref_slice %arg7[%dma_wait3A_552, %dma_wait3A_553, %dma_wait3A_554] : memref<16x8x128xf32, #tpu.memory_space<vmem>> -> memref<1x8x128xf32, #tpu.memory_space<vmem>>
      %dma_wait3A_556 = tpu.memref_squeeze %dma_wait3A_555 : memref<1x8x128xf32, #tpu.memory_space<vmem>> -> memref<8x128xf32, #tpu.memory_space<vmem>>
      %dma_wait3A_557 = tpu.memref_slice %arg2[%multiple_of3A_299, %multiple_of3A_304] : memref<4096x32768xf32, #tpu.memory_space<hbm>> -> memref<8x128xf32, #tpu.memory_space<hbm>>
      %dma_wait3A_558 = arith.constant 0 : i32
      %dma_wait3A_559 = arith.constant 0 : i32
      %dma_wait3A_560 = tpu.memref_slice %arg7[%dma_wait3A_552, %dma_wait3A_558, %dma_wait3A_559] : memref<16x8x128xf32, #tpu.memory_space<vmem>> -> memref<1x8x128xf32, #tpu.memory_space<vmem>>
      %dma_wait3A_561 = tpu.memref_squeeze %dma_wait3A_560 : memref<1x8x128xf32, #tpu.memory_space<vmem>> -> memref<8x128xf32, #tpu.memory_space<vmem>>
      %dma_wait3A_562 = tpu.memref_slice %arg2[%multiple_of3A_299, %multiple_of3A_304] : memref<4096x32768xf32, #tpu.memory_space<hbm>> -> memref<8x128xf32, #tpu.memory_space<hbm>>
      tpu.wait_dma2 semaphore(%arg9 : memref<!tpu.dma_semaphore, #tpu.memory_space<semaphore_mem>>) src(%dma_wait3A_562 : memref<8x128xf32, #tpu.memory_space<hbm>>) dst(%dma_wait3A_561 : memref<8x128xf32, #tpu.memory_space<vmem>>)
      %dma_wait3A_563 = arith.constant 8 : i32
      %dma_wait3A_564 = arith.constant 0 : i32
      %dma_wait3A_565 = arith.constant 0 : i32
      %dma_wait3A_566 = tpu.memref_slice %arg7[%dma_wait3A_563, %dma_wait3A_564, %dma_wait3A_565] : memref<16x8x128xf32, #tpu.memory_space<vmem>> -> memref<1x8x128xf32, #tpu.memory_space<vmem>>
      %dma_wait3A_567 = tpu.memref_squeeze %dma_wait3A_566 : memref<1x8x128xf32, #tpu.memory_space<vmem>> -> memref<8x128xf32, #tpu.memory_space<vmem>>
      %dma_wait3A_568 = tpu.memref_slice %arg2[%multiple_of3A_319, %multiple_of3A_324] : memref<4096x32768xf32, #tpu.memory_space<hbm>> -> memref<8x128xf32, #tpu.memory_space<hbm>>
      %dma_wait3A_569 = arith.constant 0 : i32
      %dma_wait3A_570 = arith.constant 0 : i32
      %dma_wait3A_571 = tpu.memref_slice %arg7[%dma_wait3A_563, %dma_wait3A_569, %dma_wait3A_570] : memref<16x8x128xf32, #tpu.memory_space<vmem>> -> memref<1x8x128xf32, #tpu.memory_space<vmem>>
      %dma_wait3A_572 = tpu.memref_squeeze %dma_wait3A_571 : memref<1x8x128xf32, #tpu.memory_space<vmem>> -> memref<8x128xf32, #tpu.memory_space<vmem>>
      %dma_wait3A_573 = tpu.memref_slice %arg2[%multiple_of3A_319, %multiple_of3A_324] : memref<4096x32768xf32, #tpu.memory_space<hbm>> -> memref<8x128xf32, #tpu.memory_space<hbm>>
      tpu.wait_dma2 semaphore(%arg9 : memref<!tpu.dma_semaphore, #tpu.memory_space<semaphore_mem>>) src(%dma_wait3A_573 : memref<8x128xf32, #tpu.memory_space<hbm>>) dst(%dma_wait3A_572 : memref<8x128xf32, #tpu.memory_space<vmem>>)
      %dma_wait3A_574 = arith.constant 9 : i32
      %dma_wait3A_575 = arith.constant 0 : i32
      %dma_wait3A_576 = arith.constant 0 : i32
      %dma_wait3A_577 = tpu.memref_slice %arg7[%dma_wait3A_574, %dma_wait3A_575, %dma_wait3A_576] : memref<16x8x128xf32, #tpu.memory_space<vmem>> -> memref<1x8x128xf32, #tpu.memory_space<vmem>>
      %dma_wait3A_578 = tpu.memref_squeeze %dma_wait3A_577 : memref<1x8x128xf32, #tpu.memory_space<vmem>> -> memref<8x128xf32, #tpu.memory_space<vmem>>
      %dma_wait3A_579 = tpu.memref_slice %arg2[%multiple_of3A_339, %multiple_of3A_344] : memref<4096x32768xf32, #tpu.memory_space<hbm>> -> memref<8x128xf32, #tpu.memory_space<hbm>>
      %dma_wait3A_580 = arith.constant 0 : i32
      %dma_wait3A_581 = arith.constant 0 : i32
      %dma_wait3A_582 = tpu.memref_slice %arg7[%dma_wait3A_574, %dma_wait3A_580, %dma_wait3A_581] : memref<16x8x128xf32, #tpu.memory_space<vmem>> -> memref<1x8x128xf32, #tpu.memory_space<vmem>>
      %dma_wait3A_583 = tpu.memref_squeeze %dma_wait3A_582 : memref<1x8x128xf32, #tpu.memory_space<vmem>> -> memref<8x128xf32, #tpu.memory_space<vmem>>
      %dma_wait3A_584 = tpu.memref_slice %arg2[%multiple_of3A_339, %multiple_of3A_344] : memref<4096x32768xf32, #tpu.memory_space<hbm>> -> memref<8x128xf32, #tpu.memory_space<hbm>>
      tpu.wait_dma2 semaphore(%arg9 : memref<!tpu.dma_semaphore, #tpu.memory_space<semaphore_mem>>) src(%dma_wait3A_584 : memref<8x128xf32, #tpu.memory_space<hbm>>) dst(%dma_wait3A_583 : memref<8x128xf32, #tpu.memory_space<vmem>>)
      %dma_wait3A_585 = arith.constant 10 : i32
      %dma_wait3A_586 = arith.constant 0 : i32
      %dma_wait3A_587 = arith.constant 0 : i32
      %dma_wait3A_588 = tpu.memref_slice %arg7[%dma_wait3A_585, %dma_wait3A_586, %dma_wait3A_587] : memref<16x8x128xf32, #tpu.memory_space<vmem>> -> memref<1x8x128xf32, #tpu.memory_space<vmem>>
      %dma_wait3A_589 = tpu.memref_squeeze %dma_wait3A_588 : memref<1x8x128xf32, #tpu.memory_space<vmem>> -> memref<8x128xf32, #tpu.memory_space<vmem>>
      %dma_wait3A_590 = tpu.memref_slice %arg2[%multiple_of3A_359, %multiple_of3A_364] : memref<4096x32768xf32, #tpu.memory_space<hbm>> -> memref<8x128xf32, #tpu.memory_space<hbm>>
      %dma_wait3A_591 = arith.constant 0 : i32
      %dma_wait3A_592 = arith.constant 0 : i32
      %dma_wait3A_593 = tpu.memref_slice %arg7[%dma_wait3A_585, %dma_wait3A_591, %dma_wait3A_592] : memref<16x8x128xf32, #tpu.memory_space<vmem>> -> memref<1x8x128xf32, #tpu.memory_space<vmem>>
      %dma_wait3A_594 = tpu.memref_squeeze %dma_wait3A_593 : memref<1x8x128xf32, #tpu.memory_space<vmem>> -> memref<8x128xf32, #tpu.memory_space<vmem>>
      %dma_wait3A_595 = tpu.memref_slice %arg2[%multiple_of3A_359, %multiple_of3A_364] : memref<4096x32768xf32, #tpu.memory_space<hbm>> -> memref<8x128xf32, #tpu.memory_space<hbm>>
      tpu.wait_dma2 semaphore(%arg9 : memref<!tpu.dma_semaphore, #tpu.memory_space<semaphore_mem>>) src(%dma_wait3A_595 : memref<8x128xf32, #tpu.memory_space<hbm>>) dst(%dma_wait3A_594 : memref<8x128xf32, #tpu.memory_space<vmem>>)
      %dma_wait3A_596 = arith.constant 11 : i32
      %dma_wait3A_597 = arith.constant 0 : i32
      %dma_wait3A_598 = arith.constant 0 : i32
      %dma_wait3A_599 = tpu.memref_slice %arg7[%dma_wait3A_596, %dma_wait3A_597, %dma_wait3A_598] : memref<16x8x128xf32, #tpu.memory_space<vmem>> -> memref<1x8x128xf32, #tpu.memory_space<vmem>>
      %dma_wait3A_600 = tpu.memref_squeeze %dma_wait3A_599 : memref<1x8x128xf32, #tpu.memory_space<vmem>> -> memref<8x128xf32, #tpu.memory_space<vmem>>
      %dma_wait3A_601 = tpu.memref_slice %arg2[%multiple_of3A_379, %multiple_of3A_384] : memref<4096x32768xf32, #tpu.memory_space<hbm>> -> memref<8x128xf32, #tpu.memory_space<hbm>>
      %dma_wait3A_602 = arith.constant 0 : i32
      %dma_wait3A_603 = arith.constant 0 : i32
      %dma_wait3A_604 = tpu.memref_slice %arg7[%dma_wait3A_596, %dma_wait3A_602, %dma_wait3A_603] : memref<16x8x128xf32, #tpu.memory_space<vmem>> -> memref<1x8x128xf32, #tpu.memory_space<vmem>>
      %dma_wait3A_605 = tpu.memref_squeeze %dma_wait3A_604 : memref<1x8x128xf32, #tpu.memory_space<vmem>> -> memref<8x128xf32, #tpu.memory_space<vmem>>
      %dma_wait3A_606 = tpu.memref_slice %arg2[%multiple_of3A_379, %multiple_of3A_384] : memref<4096x32768xf32, #tpu.memory_space<hbm>> -> memref<8x128xf32, #tpu.memory_space<hbm>>
      tpu.wait_dma2 semaphore(%arg9 : memref<!tpu.dma_semaphore, #tpu.memory_space<semaphore_mem>>) src(%dma_wait3A_606 : memref<8x128xf32, #tpu.memory_space<hbm>>) dst(%dma_wait3A_605 : memref<8x128xf32, #tpu.memory_space<vmem>>)
      %dma_wait3A_607 = arith.constant 12 : i32
      %dma_wait3A_608 = arith.constant 0 : i32
      %dma_wait3A_609 = arith.constant 0 : i32
      %dma_wait3A_610 = tpu.memref_slice %arg7[%dma_wait3A_607, %dma_wait3A_608, %dma_wait3A_609] : memref<16x8x128xf32, #tpu.memory_space<vmem>> -> memref<1x8x128xf32, #tpu.memory_space<vmem>>
      %dma_wait3A_611 = tpu.memref_squeeze %dma_wait3A_610 : memref<1x8x128xf32, #tpu.memory_space<vmem>> -> memref<8x128xf32, #tpu.memory_space<vmem>>
      %dma_wait3A_612 = tpu.memref_slice %arg2[%multiple_of3A_399, %multiple_of3A_404] : memref<4096x32768xf32, #tpu.memory_space<hbm>> -> memref<8x128xf32, #tpu.memory_space<hbm>>
      %dma_wait3A_613 = arith.constant 0 : i32
      %dma_wait3A_614 = arith.constant 0 : i32
      %dma_wait3A_615 = tpu.memref_slice %arg7[%dma_wait3A_607, %dma_wait3A_613, %dma_wait3A_614] : memref<16x8x128xf32, #tpu.memory_space<vmem>> -> memref<1x8x128xf32, #tpu.memory_space<vmem>>
      %dma_wait3A_616 = tpu.memref_squeeze %dma_wait3A_615 : memref<1x8x128xf32, #tpu.memory_space<vmem>> -> memref<8x128xf32, #tpu.memory_space<vmem>>
      %dma_wait3A_617 = tpu.memref_slice %arg2[%multiple_of3A_399, %multiple_of3A_404] : memref<4096x32768xf32, #tpu.memory_space<hbm>> -> memref<8x128xf32, #tpu.memory_space<hbm>>
      tpu.wait_dma2 semaphore(%arg9 : memref<!tpu.dma_semaphore, #tpu.memory_space<semaphore_mem>>) src(%dma_wait3A_617 : memref<8x128xf32, #tpu.memory_space<hbm>>) dst(%dma_wait3A_616 : memref<8x128xf32, #tpu.memory_space<vmem>>)
      %dma_wait3A_618 = arith.constant 13 : i32
      %dma_wait3A_619 = arith.constant 0 : i32
      %dma_wait3A_620 = arith.constant 0 : i32
      %dma_wait3A_621 = tpu.memref_slice %arg7[%dma_wait3A_618, %dma_wait3A_619, %dma_wait3A_620] : memref<16x8x128xf32, #tpu.memory_space<vmem>> -> memref<1x8x128xf32, #tpu.memory_space<vmem>>
      %dma_wait3A_622 = tpu.memref_squeeze %dma_wait3A_621 : memref<1x8x128xf32, #tpu.memory_space<vmem>> -> memref<8x128xf32, #tpu.memory_space<vmem>>
      %dma_wait3A_623 = tpu.memref_slice %arg2[%multiple_of3A_419, %multiple_of3A_424] : memref<4096x32768xf32, #tpu.memory_space<hbm>> -> memref<8x128xf32, #tpu.memory_space<hbm>>
      %dma_wait3A_624 = arith.constant 0 : i32
      %dma_wait3A_625 = arith.constant 0 : i32
      %dma_wait3A_626 = tpu.memref_slice %arg7[%dma_wait3A_618, %dma_wait3A_624, %dma_wait3A_625] : memref<16x8x128xf32, #tpu.memory_space<vmem>> -> memref<1x8x128xf32, #tpu.memory_space<vmem>>
      %dma_wait3A_627 = tpu.memref_squeeze %dma_wait3A_626 : memref<1x8x128xf32, #tpu.memory_space<vmem>> -> memref<8x128xf32, #tpu.memory_space<vmem>>
      %dma_wait3A_628 = tpu.memref_slice %arg2[%multiple_of3A_419, %multiple_of3A_424] : memref<4096x32768xf32, #tpu.memory_space<hbm>> -> memref<8x128xf32, #tpu.memory_space<hbm>>
      tpu.wait_dma2 semaphore(%arg9 : memref<!tpu.dma_semaphore, #tpu.memory_space<semaphore_mem>>) src(%dma_wait3A_628 : memref<8x128xf32, #tpu.memory_space<hbm>>) dst(%dma_wait3A_627 : memref<8x128xf32, #tpu.memory_space<vmem>>)
      %dma_wait3A_629 = arith.constant 14 : i32
      %dma_wait3A_630 = arith.constant 0 : i32
      %dma_wait3A_631 = arith.constant 0 : i32
      %dma_wait3A_632 = tpu.memref_slice %arg7[%dma_wait3A_629, %dma_wait3A_630, %dma_wait3A_631] : memref<16x8x128xf32, #tpu.memory_space<vmem>> -> memref<1x8x128xf32, #tpu.memory_space<vmem>>
      %dma_wait3A_633 = tpu.memref_squeeze %dma_wait3A_632 : memref<1x8x128xf32, #tpu.memory_space<vmem>> -> memref<8x128xf32, #tpu.memory_space<vmem>>
      %dma_wait3A_634 = tpu.memref_slice %arg2[%multiple_of3A_439, %multiple_of3A_444] : memref<4096x32768xf32, #tpu.memory_space<hbm>> -> memref<8x128xf32, #tpu.memory_space<hbm>>
      %dma_wait3A_635 = arith.constant 0 : i32
      %dma_wait3A_636 = arith.constant 0 : i32
      %dma_wait3A_637 = tpu.memref_slice %arg7[%dma_wait3A_629, %dma_wait3A_635, %dma_wait3A_636] : memref<16x8x128xf32, #tpu.memory_space<vmem>> -> memref<1x8x128xf32, #tpu.memory_space<vmem>>
      %dma_wait3A_638 = tpu.memref_squeeze %dma_wait3A_637 : memref<1x8x128xf32, #tpu.memory_space<vmem>> -> memref<8x128xf32, #tpu.memory_space<vmem>>
      %dma_wait3A_639 = tpu.memref_slice %arg2[%multiple_of3A_439, %multiple_of3A_444] : memref<4096x32768xf32, #tpu.memory_space<hbm>> -> memref<8x128xf32, #tpu.memory_space<hbm>>
      tpu.wait_dma2 semaphore(%arg9 : memref<!tpu.dma_semaphore, #tpu.memory_space<semaphore_mem>>) src(%dma_wait3A_639 : memref<8x128xf32, #tpu.memory_space<hbm>>) dst(%dma_wait3A_638 : memref<8x128xf32, #tpu.memory_space<vmem>>)
      %dma_wait3A_640 = arith.constant 15 : i32
      %dma_wait3A_641 = arith.constant 0 : i32
      %dma_wait3A_642 = arith.constant 0 : i32
      %dma_wait3A_643 = tpu.memref_slice %arg7[%dma_wait3A_640, %dma_wait3A_641, %dma_wait3A_642] : memref<16x8x128xf32, #tpu.memory_space<vmem>> -> memref<1x8x128xf32, #tpu.memory_space<vmem>>
      %dma_wait3A_644 = tpu.memref_squeeze %dma_wait3A_643 : memref<1x8x128xf32, #tpu.memory_space<vmem>> -> memref<8x128xf32, #tpu.memory_space<vmem>>
      %dma_wait3A_645 = tpu.memref_slice %arg2[%multiple_of3A_459, %multiple_of3A_464] : memref<4096x32768xf32, #tpu.memory_space<hbm>> -> memref<8x128xf32, #tpu.memory_space<hbm>>
      %dma_wait3A_646 = arith.constant 0 : i32
      %dma_wait3A_647 = arith.constant 0 : i32
      %dma_wait3A_648 = tpu.memref_slice %arg7[%dma_wait3A_640, %dma_wait3A_646, %dma_wait3A_647] : memref<16x8x128xf32, #tpu.memory_space<vmem>> -> memref<1x8x128xf32, #tpu.memory_space<vmem>>
      %dma_wait3A_649 = tpu.memref_squeeze %dma_wait3A_648 : memref<1x8x128xf32, #tpu.memory_space<vmem>> -> memref<8x128xf32, #tpu.memory_space<vmem>>
      %dma_wait3A_650 = tpu.memref_slice %arg2[%multiple_of3A_459, %multiple_of3A_464] : memref<4096x32768xf32, #tpu.memory_space<hbm>> -> memref<8x128xf32, #tpu.memory_space<hbm>>
      tpu.wait_dma2 semaphore(%arg9 : memref<!tpu.dma_semaphore, #tpu.memory_space<semaphore_mem>>) src(%dma_wait3A_650 : memref<8x128xf32, #tpu.memory_space<hbm>>) dst(%dma_wait3A_649 : memref<8x128xf32, #tpu.memory_space<vmem>>)
      %and3A = arith.constant 112 : i32
      %and3A_651 = arith.andi %get3A_113, %and3A : i32
      %get3A_652 = arith.constant 0 : i32
      %get3A_653 = arith.constant 0 : i32
      %get3A_654 = arith.index_cast %get3A_652 : i32 to index
      %get3A_655 = arith.index_cast %get3A_653 : i32 to index
      %get3A_656 = arith.index_cast %and3A_651 : i32 to index
      %get3A_657 = tpu.vector_load %arg7[%get3A_654, %get3A_655, %get3A_656] {strides = array<i32>} : memref<16x8x128xf32, #tpu.memory_space<vmem>>, vector<1x1x16xf32>,
      %get3A_658 = vector.shape_cast %get3A_657 : vector<1x1x16xf32> to vector<16xf32>
      %ne3A = arith.constant 0 : i32
      %ne3A_659 = arith.cmpi ne, %get3A_113, %ne3A : i32
      %and3A_660 = arith.constant 15 : i32
      %and3A_661 = arith.andi %get3A_113, %and3A_660 : i32
      %jit3A = arith.constant -1 : i32
      %select_n3A = arith.select %ne3A_659, %and3A_661, %jit3A : i32
      %eq3A = vector.broadcast %select_n3A : i32 to vector<16xi32>
      %eq3A_662 = arith.cmpi eq, %iota3A, %eq3A : vector<16xi32>
      %mul3A_663 = arith.constant -0.899996936 : f32
      %mul3A_664 = vector.broadcast %mul3A_663 : f32 to vector<16xf32>
      %mul3A_665 = arith.mulf %mul3A_664, %get3A_658 : vector<16xf32>
      %add3A_666 = arith.constant -1.36479759 : f32
      %add3A_667 = vector.broadcast %add3A_666 : f32 to vector<16xf32>
      %add3A_668 = arith.addf %mul3A_665, %add3A_667 : vector<16xf32>
      %jit3A_669 = arith.constant 0.000000e+00 : f32
      %broadcast_in_dim3A_670 = vector.broadcast %jit3A_669 : f32 to vector<16xf32>
      %select_n3A_671 = arith.select %eq3A_662, %add3A_668, %broadcast_in_dim3A_670 : vector<16xi1>, vector<16xf32>
      %add3A_672 = arith.addf %scan3A_13, %select_n3A_671 : vector<16xf32>
      %and3A_673 = arith.constant 112 : i32
      %and3A_674 = arith.andi %get3A_116, %and3A_673 : i32
      %get3A_675 = arith.constant 1 : i32
      %get3A_676 = arith.constant 1 : i32
      %get3A_677 = arith.index_cast %get3A_675 : i32 to index
      %get3A_678 = arith.index_cast %get3A_676 : i32 to index
      %get3A_679 = arith.index_cast %and3A_674 : i32 to index
      %get3A_680 = tpu.vector_load %arg7[%get3A_677, %get3A_678, %get3A_679] {strides = array<i32>} : memref<16x8x128xf32, #tpu.memory_space<vmem>>, vector<1x1x16xf32>,
      %get3A_681 = vector.shape_cast %get3A_680 : vector<1x1x16xf32> to vector<16xf32>
      %ne3A_682 = arith.constant 0 : i32
      %ne3A_683 = arith.cmpi ne, %get3A_116, %ne3A_682 : i32
      %and3A_684 = arith.constant 15 : i32
      %and3A_685 = arith.andi %get3A_116, %and3A_684 : i32
      %jit3A_686 = arith.constant -1 : i32
      %select_n3A_687 = arith.select %ne3A_683, %and3A_685, %jit3A_686 : i32
      %eq3A_688 = vector.broadcast %select_n3A_687 : i32 to vector<16xi32>
      %eq3A_689 = arith.cmpi eq, %iota3A, %eq3A_688 : vector<16xi32>
      %mul3A_690 = arith.constant -0.899996936 : f32
      %mul3A_691 = vector.broadcast %mul3A_690 : f32 to vector<16xf32>
      %mul3A_692 = arith.mulf %mul3A_691, %get3A_681 : vector<16xf32>
      %add3A_693 = arith.constant -1.36479759 : f32
      %add3A_694 = vector.broadcast %add3A_693 : f32 to vector<16xf32>
      %add3A_695 = arith.addf %mul3A_692, %add3A_694 : vector<16xf32>
      %jit3A_696 = arith.constant 0.000000e+00 : f32
      %broadcast_in_dim3A_697 = vector.broadcast %jit3A_696 : f32 to vector<16xf32>
      %select_n3A_698 = arith.select %eq3A_689, %add3A_695, %broadcast_in_dim3A_697 : vector<16xi1>, vector<16xf32>
      %add3A_699 = arith.addf %add3A_672, %select_n3A_698 : vector<16xf32>
      %and3A_700 = arith.constant 112 : i32
      %and3A_701 = arith.andi %get3A_119, %and3A_700 : i32
      %get3A_702 = arith.constant 2 : i32
      %get3A_703 = arith.constant 2 : i32
      %get3A_704 = arith.index_cast %get3A_702 : i32 to index
      %get3A_705 = arith.index_cast %get3A_703 : i32 to index
      %get3A_706 = arith.index_cast %and3A_701 : i32 to index
      %get3A_707 = tpu.vector_load %arg7[%get3A_704, %get3A_705, %get3A_706] {strides = array<i32>} : memref<16x8x128xf32, #tpu.memory_space<vmem>>, vector<1x1x16xf32>,
      %get3A_708 = vector.shape_cast %get3A_707 : vector<1x1x16xf32> to vector<16xf32>
      %ne3A_709 = arith.constant 0 : i32
      %ne3A_710 = arith.cmpi ne, %get3A_119, %ne3A_709 : i32
      %and3A_711 = arith.constant 15 : i32
      %and3A_712 = arith.andi %get3A_119, %and3A_711 : i32
      %jit3A_713 = arith.constant -1 : i32
      %select_n3A_714 = arith.select %ne3A_710, %and3A_712, %jit3A_713 : i32
      %eq3A_715 = vector.broadcast %select_n3A_714 : i32 to vector<16xi32>
      %eq3A_716 = arith.cmpi eq, %iota3A, %eq3A_715 : vector<16xi32>
      %mul3A_717 = arith.constant -0.899996936 : f32
      %mul3A_718 = vector.broadcast %mul3A_717 : f32 to vector<16xf32>
      %mul3A_719 = arith.mulf %mul3A_718, %get3A_708 : vector<16xf32>
      %add3A_720 = arith.constant -1.36479759 : f32
      %add3A_721 = vector.broadcast %add3A_720 : f32 to vector<16xf32>
      %add3A_722 = arith.addf %mul3A_719, %add3A_721 : vector<16xf32>
      %jit3A_723 = arith.constant 0.000000e+00 : f32
      %broadcast_in_dim3A_724 = vector.broadcast %jit3A_723 : f32 to vector<16xf32>
      %select_n3A_725 = arith.select %eq3A_716, %add3A_722, %broadcast_in_dim3A_724 : vector<16xi1>, vector<16xf32>
      %add3A_726 = arith.addf %add3A_699, %select_n3A_725 : vector<16xf32>
      %and3A_727 = arith.constant 112 : i32
      %and3A_728 = arith.andi %get3A_122, %and3A_727 : i32
      %get3A_729 = arith.constant 3 : i32
      %get3A_730 = arith.constant 3 : i32
      %get3A_731 = arith.index_cast %get3A_729 : i32 to index
      %get3A_732 = arith.index_cast %get3A_730 : i32 to index
      %get3A_733 = arith.index_cast %and3A_728 : i32 to index
      %get3A_734 = tpu.vector_load %arg7[%get3A_731, %get3A_732, %get3A_733] {strides = array<i32>} : memref<16x8x128xf32, #tpu.memory_space<vmem>>, vector<1x1x16xf32>,
      %get3A_735 = vector.shape_cast %get3A_734 : vector<1x1x16xf32> to vector<16xf32>
      %ne3A_736 = arith.constant 0 : i32
      %ne3A_737 = arith.cmpi ne, %get3A_122, %ne3A_736 : i32
      %and3A_738 = arith.constant 15 : i32
      %and3A_739 = arith.andi %get3A_122, %and3A_738 : i32
      %jit3A_740 = arith.constant -1 : i32
      %select_n3A_741 = arith.select %ne3A_737, %and3A_739, %jit3A_740 : i32
      %eq3A_742 = vector.broadcast %select_n3A_741 : i32 to vector<16xi32>
      %eq3A_743 = arith.cmpi eq, %iota3A, %eq3A_742 : vector<16xi32>
      %mul3A_744 = arith.constant -0.899996936 : f32
      %mul3A_745 = vector.broadcast %mul3A_744 : f32 to vector<16xf32>
      %mul3A_746 = arith.mulf %mul3A_745, %get3A_735 : vector<16xf32>
      %add3A_747 = arith.constant -1.36479759 : f32
      %add3A_748 = vector.broadcast %add3A_747 : f32 to vector<16xf32>
      %add3A_749 = arith.addf %mul3A_746, %add3A_748 : vector<16xf32>
      %jit3A_750 = arith.constant 0.000000e+00 : f32
      %broadcast_in_dim3A_751 = vector.broadcast %jit3A_750 : f32 to vector<16xf32>
      %select_n3A_752 = arith.select %eq3A_743, %add3A_749, %broadcast_in_dim3A_751 : vector<16xi1>, vector<16xf32>
      %add3A_753 = arith.addf %add3A_726, %select_n3A_752 : vector<16xf32>
      %and3A_754 = arith.constant 112 : i32
      %and3A_755 = arith.andi %get3A_125, %and3A_754 : i32
      %get3A_756 = arith.constant 4 : i32
      %get3A_757 = arith.constant 4 : i32
      %get3A_758 = arith.index_cast %get3A_756 : i32 to index
      %get3A_759 = arith.index_cast %get3A_757 : i32 to index
      %get3A_760 = arith.index_cast %and3A_755 : i32 to index
      %get3A_761 = tpu.vector_load %arg7[%get3A_758, %get3A_759, %get3A_760] {strides = array<i32>} : memref<16x8x128xf32, #tpu.memory_space<vmem>>, vector<1x1x16xf32>,
      %get3A_762 = vector.shape_cast %get3A_761 : vector<1x1x16xf32> to vector<16xf32>
      %ne3A_763 = arith.constant 0 : i32
      %ne3A_764 = arith.cmpi ne, %get3A_125, %ne3A_763 : i32
      %and3A_765 = arith.constant 15 : i32
      %and3A_766 = arith.andi %get3A_125, %and3A_765 : i32
      %jit3A_767 = arith.constant -1 : i32
      %select_n3A_768 = arith.select %ne3A_764, %and3A_766, %jit3A_767 : i32
      %eq3A_769 = vector.broadcast %select_n3A_768 : i32 to vector<16xi32>
      %eq3A_770 = arith.cmpi eq, %iota3A, %eq3A_769 : vector<16xi32>
      %mul3A_771 = arith.constant -0.899996936 : f32
      %mul3A_772 = vector.broadcast %mul3A_771 : f32 to vector<16xf32>
      %mul3A_773 = arith.mulf %mul3A_772, %get3A_762 : vector<16xf32>
      %add3A_774 = arith.constant -1.36479759 : f32
      %add3A_775 = vector.broadcast %add3A_774 : f32 to vector<16xf32>
      %add3A_776 = arith.addf %mul3A_773, %add3A_775 : vector<16xf32>
      %jit3A_777 = arith.constant 0.000000e+00 : f32
      %broadcast_in_dim3A_778 = vector.broadcast %jit3A_777 : f32 to vector<16xf32>
      %select_n3A_779 = arith.select %eq3A_770, %add3A_776, %broadcast_in_dim3A_778 : vector<16xi1>, vector<16xf32>
      %add3A_780 = arith.addf %add3A_753, %select_n3A_779 : vector<16xf32>
      %and3A_781 = arith.constant 112 : i32
      %and3A_782 = arith.andi %get3A_128, %and3A_781 : i32
      %get3A_783 = arith.constant 5 : i32
      %get3A_784 = arith.constant 5 : i32
      %get3A_785 = arith.index_cast %get3A_783 : i32 to index
      %get3A_786 = arith.index_cast %get3A_784 : i32 to index
      %get3A_787 = arith.index_cast %and3A_782 : i32 to index
      %get3A_788 = tpu.vector_load %arg7[%get3A_785, %get3A_786, %get3A_787] {strides = array<i32>} : memref<16x8x128xf32, #tpu.memory_space<vmem>>, vector<1x1x16xf32>,
      %get3A_789 = vector.shape_cast %get3A_788 : vector<1x1x16xf32> to vector<16xf32>
      %ne3A_790 = arith.constant 0 : i32
      %ne3A_791 = arith.cmpi ne, %get3A_128, %ne3A_790 : i32
      %and3A_792 = arith.constant 15 : i32
      %and3A_793 = arith.andi %get3A_128, %and3A_792 : i32
      %jit3A_794 = arith.constant -1 : i32
      %select_n3A_795 = arith.select %ne3A_791, %and3A_793, %jit3A_794 : i32
      %eq3A_796 = vector.broadcast %select_n3A_795 : i32 to vector<16xi32>
      %eq3A_797 = arith.cmpi eq, %iota3A, %eq3A_796 : vector<16xi32>
      %mul3A_798 = arith.constant -0.899996936 : f32
      %mul3A_799 = vector.broadcast %mul3A_798 : f32 to vector<16xf32>
      %mul3A_800 = arith.mulf %mul3A_799, %get3A_789 : vector<16xf32>
      %add3A_801 = arith.constant -1.36479759 : f32
      %add3A_802 = vector.broadcast %add3A_801 : f32 to vector<16xf32>
      %add3A_803 = arith.addf %mul3A_800, %add3A_802 : vector<16xf32>
      %jit3A_804 = arith.constant 0.000000e+00 : f32
      %broadcast_in_dim3A_805 = vector.broadcast %jit3A_804 : f32 to vector<16xf32>
      %select_n3A_806 = arith.select %eq3A_797, %add3A_803, %broadcast_in_dim3A_805 : vector<16xi1>, vector<16xf32>
      %add3A_807 = arith.addf %add3A_780, %select_n3A_806 : vector<16xf32>
      %and3A_808 = arith.constant 112 : i32
      %and3A_809 = arith.andi %get3A_131, %and3A_808 : i32
      %get3A_810 = arith.constant 6 : i32
      %get3A_811 = arith.constant 6 : i32
      %get3A_812 = arith.index_cast %get3A_810 : i32 to index
      %get3A_813 = arith.index_cast %get3A_811 : i32 to index
      %get3A_814 = arith.index_cast %and3A_809 : i32 to index
      %get3A_815 = tpu.vector_load %arg7[%get3A_812, %get3A_813, %get3A_814] {strides = array<i32>} : memref<16x8x128xf32, #tpu.memory_space<vmem>>, vector<1x1x16xf32>,
      %get3A_816 = vector.shape_cast %get3A_815 : vector<1x1x16xf32> to vector<16xf32>
      %ne3A_817 = arith.constant 0 : i32
      %ne3A_818 = arith.cmpi ne, %get3A_131, %ne3A_817 : i32
      %and3A_819 = arith.constant 15 : i32
      %and3A_820 = arith.andi %get3A_131, %and3A_819 : i32
      %jit3A_821 = arith.constant -1 : i32
      %select_n3A_822 = arith.select %ne3A_818, %and3A_820, %jit3A_821 : i32
      %eq3A_823 = vector.broadcast %select_n3A_822 : i32 to vector<16xi32>
      %eq3A_824 = arith.cmpi eq, %iota3A, %eq3A_823 : vector<16xi32>
      %mul3A_825 = arith.constant -0.899996936 : f32
      %mul3A_826 = vector.broadcast %mul3A_825 : f32 to vector<16xf32>
      %mul3A_827 = arith.mulf %mul3A_826, %get3A_816 : vector<16xf32>
      %add3A_828 = arith.constant -1.36479759 : f32
      %add3A_829 = vector.broadcast %add3A_828 : f32 to vector<16xf32>
      %add3A_830 = arith.addf %mul3A_827, %add3A_829 : vector<16xf32>
      %jit3A_831 = arith.constant 0.000000e+00 : f32
      %broadcast_in_dim3A_832 = vector.broadcast %jit3A_831 : f32 to vector<16xf32>
      %select_n3A_833 = arith.select %eq3A_824, %add3A_830, %broadcast_in_dim3A_832 : vector<16xi1>, vector<16xf32>
      %add3A_834 = arith.addf %add3A_807, %select_n3A_833 : vector<16xf32>
      %and3A_835 = arith.constant 112 : i32
      %and3A_836 = arith.andi %get3A_134, %and3A_835 : i32
      %get3A_837 = arith.constant 7 : i32
      %get3A_838 = arith.constant 7 : i32
      %get3A_839 = arith.index_cast %get3A_837 : i32 to index
      %get3A_840 = arith.index_cast %get3A_838 : i32 to index
      %get3A_841 = arith.index_cast %and3A_836 : i32 to index
      %get3A_842 = tpu.vector_load %arg7[%get3A_839, %get3A_840, %get3A_841] {strides = array<i32>} : memref<16x8x128xf32, #tpu.memory_space<vmem>>, vector<1x1x16xf32>,
      %get3A_843 = vector.shape_cast %get3A_842 : vector<1x1x16xf32> to vector<16xf32>
      %ne3A_844 = arith.constant 0 : i32
      %ne3A_845 = arith.cmpi ne, %get3A_134, %ne3A_844 : i32
      %and3A_846 = arith.constant 15 : i32
      %and3A_847 = arith.andi %get3A_134, %and3A_846 : i32
      %jit3A_848 = arith.constant -1 : i32
      %select_n3A_849 = arith.select %ne3A_845, %and3A_847, %jit3A_848 : i32
      %eq3A_850 = vector.broadcast %select_n3A_849 : i32 to vector<16xi32>
      %eq3A_851 = arith.cmpi eq, %iota3A, %eq3A_850 : vector<16xi32>
      %mul3A_852 = arith.constant -0.899996936 : f32
      %mul3A_853 = vector.broadcast %mul3A_852 : f32 to vector<16xf32>
      %mul3A_854 = arith.mulf %mul3A_853, %get3A_843 : vector<16xf32>
      %add3A_855 = arith.constant -1.36479759 : f32
      %add3A_856 = vector.broadcast %add3A_855 : f32 to vector<16xf32>
      %add3A_857 = arith.addf %mul3A_854, %add3A_856 : vector<16xf32>
      %jit3A_858 = arith.constant 0.000000e+00 : f32
      %broadcast_in_dim3A_859 = vector.broadcast %jit3A_858 : f32 to vector<16xf32>
      %select_n3A_860 = arith.select %eq3A_851, %add3A_857, %broadcast_in_dim3A_859 : vector<16xi1>, vector<16xf32>
      %add3A_861 = arith.addf %add3A_834, %select_n3A_860 : vector<16xf32>
      %and3A_862 = arith.constant 112 : i32
      %and3A_863 = arith.andi %get3A_137, %and3A_862 : i32
      %get3A_864 = arith.constant 8 : i32
      %get3A_865 = arith.constant 0 : i32
      %get3A_866 = arith.index_cast %get3A_864 : i32 to index
      %get3A_867 = arith.index_cast %get3A_865 : i32 to index
      %get3A_868 = arith.index_cast %and3A_863 : i32 to index
      %get3A_869 = tpu.vector_load %arg7[%get3A_866, %get3A_867, %get3A_868] {strides = array<i32>} : memref<16x8x128xf32, #tpu.memory_space<vmem>>, vector<1x1x16xf32>,
      %get3A_870 = vector.shape_cast %get3A_869 : vector<1x1x16xf32> to vector<16xf32>
      %ne3A_871 = arith.constant 0 : i32
      %ne3A_872 = arith.cmpi ne, %get3A_137, %ne3A_871 : i32
      %and3A_873 = arith.constant 15 : i32
      %and3A_874 = arith.andi %get3A_137, %and3A_873 : i32
      %jit3A_875 = arith.constant -1 : i32
      %select_n3A_876 = arith.select %ne3A_872, %and3A_874, %jit3A_875 : i32
      %eq3A_877 = vector.broadcast %select_n3A_876 : i32 to vector<16xi32>
      %eq3A_878 = arith.cmpi eq, %iota3A, %eq3A_877 : vector<16xi32>
      %mul3A_879 = arith.constant -0.899996936 : f32
      %mul3A_880 = vector.broadcast %mul3A_879 : f32 to vector<16xf32>
      %mul3A_881 = arith.mulf %mul3A_880, %get3A_870 : vector<16xf32>
      %add3A_882 = arith.constant -1.36479759 : f32
      %add3A_883 = vector.broadcast %add3A_882 : f32 to vector<16xf32>
      %add3A_884 = arith.addf %mul3A_881, %add3A_883 : vector<16xf32>
      %jit3A_885 = arith.constant 0.000000e+00 : f32
      %broadcast_in_dim3A_886 = vector.broadcast %jit3A_885 : f32 to vector<16xf32>
      %select_n3A_887 = arith.select %eq3A_878, %add3A_884, %broadcast_in_dim3A_886 : vector<16xi1>, vector<16xf32>
      %add3A_888 = arith.addf %add3A_861, %select_n3A_887 : vector<16xf32>
      %and3A_889 = arith.constant 112 : i32
      %and3A_890 = arith.andi %get3A_140, %and3A_889 : i32
      %get3A_891 = arith.constant 9 : i32
      %get3A_892 = arith.constant 1 : i32
      %get3A_893 = arith.index_cast %get3A_891 : i32 to index
      %get3A_894 = arith.index_cast %get3A_892 : i32 to index
      %get3A_895 = arith.index_cast %and3A_890 : i32 to index
      %get3A_896 = tpu.vector_load %arg7[%get3A_893, %get3A_894, %get3A_895] {strides = array<i32>} : memref<16x8x128xf32, #tpu.memory_space<vmem>>, vector<1x1x16xf32>,
      %get3A_897 = vector.shape_cast %get3A_896 : vector<1x1x16xf32> to vector<16xf32>
      %ne3A_898 = arith.constant 0 : i32
      %ne3A_899 = arith.cmpi ne, %get3A_140, %ne3A_898 : i32
      %and3A_900 = arith.constant 15 : i32
      %and3A_901 = arith.andi %get3A_140, %and3A_900 : i32
      %jit3A_902 = arith.constant -1 : i32
      %select_n3A_903 = arith.select %ne3A_899, %and3A_901, %jit3A_902 : i32
      %eq3A_904 = vector.broadcast %select_n3A_903 : i32 to vector<16xi32>
      %eq3A_905 = arith.cmpi eq, %iota3A, %eq3A_904 : vector<16xi32>
      %mul3A_906 = arith.constant -0.899996936 : f32
      %mul3A_907 = vector.broadcast %mul3A_906 : f32 to vector<16xf32>
      %mul3A_908 = arith.mulf %mul3A_907, %get3A_897 : vector<16xf32>
      %add3A_909 = arith.constant -1.36479759 : f32
      %add3A_910 = vector.broadcast %add3A_909 : f32 to vector<16xf32>
      %add3A_911 = arith.addf %mul3A_908, %add3A_910 : vector<16xf32>
      %jit3A_912 = arith.constant 0.000000e+00 : f32
      %broadcast_in_dim3A_913 = vector.broadcast %jit3A_912 : f32 to vector<16xf32>
      %select_n3A_914 = arith.select %eq3A_905, %add3A_911, %broadcast_in_dim3A_913 : vector<16xi1>, vector<16xf32>
      %add3A_915 = arith.addf %add3A_888, %select_n3A_914 : vector<16xf32>
      %and3A_916 = arith.constant 112 : i32
      %and3A_917 = arith.andi %get3A_143, %and3A_916 : i32
      %get3A_918 = arith.constant 10 : i32
      %get3A_919 = arith.constant 2 : i32
      %get3A_920 = arith.index_cast %get3A_918 : i32 to index
      %get3A_921 = arith.index_cast %get3A_919 : i32 to index
      %get3A_922 = arith.index_cast %and3A_917 : i32 to index
      %get3A_923 = tpu.vector_load %arg7[%get3A_920, %get3A_921, %get3A_922] {strides = array<i32>} : memref<16x8x128xf32, #tpu.memory_space<vmem>>, vector<1x1x16xf32>,
      %get3A_924 = vector.shape_cast %get3A_923 : vector<1x1x16xf32> to vector<16xf32>
      %ne3A_925 = arith.constant 0 : i32
      %ne3A_926 = arith.cmpi ne, %get3A_143, %ne3A_925 : i32
      %and3A_927 = arith.constant 15 : i32
      %and3A_928 = arith.andi %get3A_143, %and3A_927 : i32
      %jit3A_929 = arith.constant -1 : i32
      %select_n3A_930 = arith.select %ne3A_926, %and3A_928, %jit3A_929 : i32
      %eq3A_931 = vector.broadcast %select_n3A_930 : i32 to vector<16xi32>
      %eq3A_932 = arith.cmpi eq, %iota3A, %eq3A_931 : vector<16xi32>
      %mul3A_933 = arith.constant -0.899996936 : f32
      %mul3A_934 = vector.broadcast %mul3A_933 : f32 to vector<16xf32>
      %mul3A_935 = arith.mulf %mul3A_934, %get3A_924 : vector<16xf32>
      %add3A_936 = arith.constant -1.36479759 : f32
      %add3A_937 = vector.broadcast %add3A_936 : f32 to vector<16xf32>
      %add3A_938 = arith.addf %mul3A_935, %add3A_937 : vector<16xf32>
      %jit3A_939 = arith.constant 0.000000e+00 : f32
      %broadcast_in_dim3A_940 = vector.broadcast %jit3A_939 : f32 to vector<16xf32>
      %select_n3A_941 = arith.select %eq3A_932, %add3A_938, %broadcast_in_dim3A_940 : vector<16xi1>, vector<16xf32>
      %add3A_942 = arith.addf %add3A_915, %select_n3A_941 : vector<16xf32>
      %and3A_943 = arith.constant 112 : i32
      %and3A_944 = arith.andi %get3A_146, %and3A_943 : i32
      %get3A_945 = arith.constant 11 : i32
      %get3A_946 = arith.constant 3 : i32
      %get3A_947 = arith.index_cast %get3A_945 : i32 to index
      %get3A_948 = arith.index_cast %get3A_946 : i32 to index
      %get3A_949 = arith.index_cast %and3A_944 : i32 to index
      %get3A_950 = tpu.vector_load %arg7[%get3A_947, %get3A_948, %get3A_949] {strides = array<i32>} : memref<16x8x128xf32, #tpu.memory_space<vmem>>, vector<1x1x16xf32>,
      %get3A_951 = vector.shape_cast %get3A_950 : vector<1x1x16xf32> to vector<16xf32>
      %ne3A_952 = arith.constant 0 : i32
      %ne3A_953 = arith.cmpi ne, %get3A_146, %ne3A_952 : i32
      %and3A_954 = arith.constant 15 : i32
      %and3A_955 = arith.andi %get3A_146, %and3A_954 : i32
      %jit3A_956 = arith.constant -1 : i32
      %select_n3A_957 = arith.select %ne3A_953, %and3A_955, %jit3A_956 : i32
      %eq3A_958 = vector.broadcast %select_n3A_957 : i32 to vector<16xi32>
      %eq3A_959 = arith.cmpi eq, %iota3A, %eq3A_958 : vector<16xi32>
      %mul3A_960 = arith.constant -0.899996936 : f32
      %mul3A_961 = vector.broadcast %mul3A_960 : f32 to vector<16xf32>
      %mul3A_962 = arith.mulf %mul3A_961, %get3A_951 : vector<16xf32>
      %add3A_963 = arith.constant -1.36479759 : f32
      %add3A_964 = vector.broadcast %add3A_963 : f32 to vector<16xf32>
      %add3A_965 = arith.addf %mul3A_962, %add3A_964 : vector<16xf32>
      %jit3A_966 = arith.constant 0.000000e+00 : f32
      %broadcast_in_dim3A_967 = vector.broadcast %jit3A_966 : f32 to vector<16xf32>
      %select_n3A_968 = arith.select %eq3A_959, %add3A_965, %broadcast_in_dim3A_967 : vector<16xi1>, vector<16xf32>
      %add3A_969 = arith.addf %add3A_942, %select_n3A_968 : vector<16xf32>
      %and3A_970 = arith.constant 112 : i32
      %and3A_971 = arith.andi %get3A_149, %and3A_970 : i32
      %get3A_972 = arith.constant 12 : i32
      %get3A_973 = arith.constant 4 : i32
      %get3A_974 = arith.index_cast %get3A_972 : i32 to index
      %get3A_975 = arith.index_cast %get3A_973 : i32 to index
      %get3A_976 = arith.index_cast %and3A_971 : i32 to index
      %get3A_977 = tpu.vector_load %arg7[%get3A_974, %get3A_975, %get3A_976] {strides = array<i32>} : memref<16x8x128xf32, #tpu.memory_space<vmem>>, vector<1x1x16xf32>,
      %get3A_978 = vector.shape_cast %get3A_977 : vector<1x1x16xf32> to vector<16xf32>
      %ne3A_979 = arith.constant 0 : i32
      %ne3A_980 = arith.cmpi ne, %get3A_149, %ne3A_979 : i32
      %and3A_981 = arith.constant 15 : i32
      %and3A_982 = arith.andi %get3A_149, %and3A_981 : i32
      %jit3A_983 = arith.constant -1 : i32
      %select_n3A_984 = arith.select %ne3A_980, %and3A_982, %jit3A_983 : i32
      %eq3A_985 = vector.broadcast %select_n3A_984 : i32 to vector<16xi32>
      %eq3A_986 = arith.cmpi eq, %iota3A, %eq3A_985 : vector<16xi32>
      %mul3A_987 = arith.constant -0.899996936 : f32
      %mul3A_988 = vector.broadcast %mul3A_987 : f32 to vector<16xf32>
      %mul3A_989 = arith.mulf %mul3A_988, %get3A_978 : vector<16xf32>
      %add3A_990 = arith.constant -1.36479759 : f32
      %add3A_991 = vector.broadcast %add3A_990 : f32 to vector<16xf32>
      %add3A_992 = arith.addf %mul3A_989, %add3A_991 : vector<16xf32>
      %jit3A_993 = arith.constant 0.000000e+00 : f32
      %broadcast_in_dim3A_994 = vector.broadcast %jit3A_993 : f32 to vector<16xf32>
      %select_n3A_995 = arith.select %eq3A_986, %add3A_992, %broadcast_in_dim3A_994 : vector<16xi1>, vector<16xf32>
      %add3A_996 = arith.addf %add3A_969, %select_n3A_995 : vector<16xf32>
      %and3A_997 = arith.constant 112 : i32
      %and3A_998 = arith.andi %get3A_152, %and3A_997 : i32
      %get3A_999 = arith.constant 13 : i32
      %get3A_1000 = arith.constant 5 : i32
      %get3A_1001 = arith.index_cast %get3A_999 : i32 to index
      %get3A_1002 = arith.index_cast %get3A_1000 : i32 to index
      %get3A_1003 = arith.index_cast %and3A_998 : i32 to index
      %get3A_1004 = tpu.vector_load %arg7[%get3A_1001, %get3A_1002, %get3A_1003] {strides = array<i32>} : memref<16x8x128xf32, #tpu.memory_space<vmem>>, vector<1x1x16xf32>,
      %get3A_1005 = vector.shape_cast %get3A_1004 : vector<1x1x16xf32> to vector<16xf32>
      %ne3A_1006 = arith.constant 0 : i32
      %ne3A_1007 = arith.cmpi ne, %get3A_152, %ne3A_1006 : i32
      %and3A_1008 = arith.constant 15 : i32
      %and3A_1009 = arith.andi %get3A_152, %and3A_1008 : i32
      %jit3A_1010 = arith.constant -1 : i32
      %select_n3A_1011 = arith.select %ne3A_1007, %and3A_1009, %jit3A_1010 : i32
      %eq3A_1012 = vector.broadcast %select_n3A_1011 : i32 to vector<16xi32>
      %eq3A_1013 = arith.cmpi eq, %iota3A, %eq3A_1012 : vector<16xi32>
      %mul3A_1014 = arith.constant -0.899996936 : f32
      %mul3A_1015 = vector.broadcast %mul3A_1014 : f32 to vector<16xf32>
      %mul3A_1016 = arith.mulf %mul3A_1015, %get3A_1005 : vector<16xf32>
      %add3A_1017 = arith.constant -1.36479759 : f32
      %add3A_1018 = vector.broadcast %add3A_1017 : f32 to vector<16xf32>
      %add3A_1019 = arith.addf %mul3A_1016, %add3A_1018 : vector<16xf32>
      %jit3A_1020 = arith.constant 0.000000e+00 : f32
      %broadcast_in_dim3A_1021 = vector.broadcast %jit3A_1020 : f32 to vector<16xf32>
      %select_n3A_1022 = arith.select %eq3A_1013, %add3A_1019, %broadcast_in_dim3A_1021 : vector<16xi1>, vector<16xf32>
      %add3A_1023 = arith.addf %add3A_996, %select_n3A_1022 : vector<16xf32>
      %and3A_1024 = arith.constant 112 : i32
      %and3A_1025 = arith.andi %get3A_155, %and3A_1024 : i32
      %get3A_1026 = arith.constant 14 : i32
      %get3A_1027 = arith.constant 6 : i32
      %get3A_1028 = arith.index_cast %get3A_1026 : i32 to index
      %get3A_1029 = arith.index_cast %get3A_1027 : i32 to index
      %get3A_1030 = arith.index_cast %and3A_1025 : i32 to index
      %get3A_1031 = tpu.vector_load %arg7[%get3A_1028, %get3A_1029, %get3A_1030] {strides = array<i32>} : memref<16x8x128xf32, #tpu.memory_space<vmem>>, vector<1x1x16xf32>,
      %get3A_1032 = vector.shape_cast %get3A_1031 : vector<1x1x16xf32> to vector<16xf32>
      %ne3A_1033 = arith.constant 0 : i32
      %ne3A_1034 = arith.cmpi ne, %get3A_155, %ne3A_1033 : i32
      %and3A_1035 = arith.constant 15 : i32
      %and3A_1036 = arith.andi %get3A_155, %and3A_1035 : i32
      %jit3A_1037 = arith.constant -1 : i32
      %select_n3A_1038 = arith.select %ne3A_1034, %and3A_1036, %jit3A_1037 : i32
      %eq3A_1039 = vector.broadcast %select_n3A_1038 : i32 to vector<16xi32>
      %eq3A_1040 = arith.cmpi eq, %iota3A, %eq3A_1039 : vector<16xi32>
      %mul3A_1041 = arith.constant -0.899996936 : f32
      %mul3A_1042 = vector.broadcast %mul3A_1041 : f32 to vector<16xf32>
      %mul3A_1043 = arith.mulf %mul3A_1042, %get3A_1032 : vector<16xf32>
      %add3A_1044 = arith.constant -1.36479759 : f32
      %add3A_1045 = vector.broadcast %add3A_1044 : f32 to vector<16xf32>
      %add3A_1046 = arith.addf %mul3A_1043, %add3A_1045 : vector<16xf32>
      %jit3A_1047 = arith.constant 0.000000e+00 : f32
      %broadcast_in_dim3A_1048 = vector.broadcast %jit3A_1047 : f32 to vector<16xf32>
      %select_n3A_1049 = arith.select %eq3A_1040, %add3A_1046, %broadcast_in_dim3A_1048 : vector<16xi1>, vector<16xf32>
      %add3A_1050 = arith.addf %add3A_1023, %select_n3A_1049 : vector<16xf32>
      %and3A_1051 = arith.constant 112 : i32
      %and3A_1052 = arith.andi %get3A_158, %and3A_1051 : i32
      %get3A_1053 = arith.constant 15 : i32
      %get3A_1054 = arith.constant 7 : i32
      %get3A_1055 = arith.index_cast %get3A_1053 : i32 to index
      %get3A_1056 = arith.index_cast %get3A_1054 : i32 to index
      %get3A_1057 = arith.index_cast %and3A_1052 : i32 to index
      %get3A_1058 = tpu.vector_load %arg7[%get3A_1055, %get3A_1056, %get3A_1057] {strides = array<i32>} : memref<16x8x128xf32, #tpu.memory_space<vmem>>, vector<1x1x16xf32>,
      %get3A_1059 = vector.shape_cast %get3A_1058 : vector<1x1x16xf32> to vector<16xf32>
      %ne3A_1060 = arith.constant 0 : i32
      %ne3A_1061 = arith.cmpi ne, %get3A_158, %ne3A_1060 : i32
      %and3A_1062 = arith.constant 15 : i32
      %and3A_1063 = arith.andi %get3A_158, %and3A_1062 : i32
      %jit3A_1064 = arith.constant -1 : i32
      %select_n3A_1065 = arith.select %ne3A_1061, %and3A_1063, %jit3A_1064 : i32
      %eq3A_1066 = vector.broadcast %select_n3A_1065 : i32 to vector<16xi32>
      %eq3A_1067 = arith.cmpi eq, %iota3A, %eq3A_1066 : vector<16xi32>
      %mul3A_1068 = arith.constant -0.899996936 : f32
      %mul3A_1069 = vector.broadcast %mul3A_1068 : f32 to vector<16xf32>
      %mul3A_1070 = arith.mulf %mul3A_1069, %get3A_1059 : vector<16xf32>
      %add3A_1071 = arith.constant -1.36479759 : f32
      %add3A_1072 = vector.broadcast %add3A_1071 : f32 to vector<16xf32>
      %add3A_1073 = arith.addf %mul3A_1070, %add3A_1072 : vector<16xf32>
      %jit3A_1074 = arith.constant 0.000000e+00 : f32
      %broadcast_in_dim3A_1075 = vector.broadcast %jit3A_1074 : f32 to vector<16xf32>
      %select_n3A_1076 = arith.select %eq3A_1067, %add3A_1073, %broadcast_in_dim3A_1075 : vector<16xi1>, vector<16xf32>
      %add3A_1077 = arith.addf %add3A_1050, %select_n3A_1076 : vector<16xf32>
      scf.yield %add3A_1077 : vector<16xf32>
    }
    %scan3A_8 = arith.constant 8 : i32
    %swap3A = arith.constant 0 : index
    %swap3A_9 = tpu.vector_load %arg8[%swap3A] {strides = array<i32>} : memref<16xf32, #tpu.memory_space<vmem>>, vector<16xf32>,
    %swap3A_10 = vector.shape_cast %swap3A_9 : vector<16xf32> to vector<16xf32>
    %swap3A_11 = vector.shape_cast %scan3A_7 : vector<16xf32> to vector<16xf32>
    tpu.vector_store %arg8[%swap3A], %swap3A_11 {strides = array<i32>} : memref<16xf32, #tpu.memory_space<vmem>>, vector<16xf32>,
    "tpu.region"() ({
      %run_scoped3A = tpu.sem_alloc : memref<!tpu.dma_semaphore, #tpu.memory_space<semaphore_mem>>
      %dma_start3A = arith.constant 0 : i32
      %dma_start3A_12 = tpu.memref_slice %arg4[%add3A, %dma_start3A] : memref<32x16xf32, #tpu.memory_space<hbm>> -> memref<1x16xf32, #tpu.memory_space<hbm>>
      %dma_start3A_13 = tpu.memref_squeeze %dma_start3A_12 : memref<1x16xf32, #tpu.memory_space<hbm>> -> memref<16xf32, #tpu.memory_space<hbm>>
      %dma_start3A_14 = arith.constant 0 : i32
      %dma_start3A_15 = tpu.memref_slice %arg4[%add3A, %dma_start3A_14] : memref<32x16xf32, #tpu.memory_space<hbm>> -> memref<1x16xf32, #tpu.memory_space<hbm>>
      %dma_start3A_16 = tpu.memref_squeeze %dma_start3A_15 : memref<1x16xf32, #tpu.memory_space<hbm>> -> memref<16xf32, #tpu.memory_space<hbm>>
      tpu.enqueue_dma source(%arg8 : memref<16xf32, #tpu.memory_space<vmem>>) target(%dma_start3A_16 : memref<16xf32, #tpu.memory_space<hbm>>) target_semaphore(%run_scoped3A : memref<!tpu.dma_semaphore, #tpu.memory_space<semaphore_mem>>)
      %dma_wait3A = arith.constant 0 : i32
      %dma_wait3A_17 = tpu.memref_slice %arg4[%add3A, %dma_wait3A] : memref<32x16xf32, #tpu.memory_space<hbm>> -> memref<1x16xf32, #tpu.memory_space<hbm>>
      %dma_wait3A_18 = tpu.memref_squeeze %dma_wait3A_17 : memref<1x16xf32, #tpu.memory_space<hbm>> -> memref<16xf32, #tpu.memory_space<hbm>>
      %dma_wait3A_19 = arith.constant 0 : i32
      %dma_wait3A_20 = tpu.memref_slice %arg4[%add3A, %dma_wait3A_19] : memref<32x16xf32, #tpu.memory_space<hbm>> -> memref<1x16xf32, #tpu.memory_space<hbm>>
      %dma_wait3A_21 = tpu.memref_squeeze %dma_wait3A_20 : memref<1x16xf32, #tpu.memory_space<hbm>> -> memref<16xf32, #tpu.memory_space<hbm>>
      tpu.wait_dma2 semaphore(%run_scoped3A : memref<!tpu.dma_semaphore, #tpu.memory_space<semaphore_mem>>) src(%arg8 : memref<16xf32, #tpu.memory_space<vmem>>) dst(%dma_wait3A_21 : memref<16xf32, #tpu.memory_space<hbm>>)
      tpu.yield
    }) : () -> ()
    return
  }
}

module attributes {stable_mosaic.version = 14 : i64} {
  func.func @_combine_body(%arg0: memref<1x1xf32, #tpu.memory_space<smem>>, %arg1: memref<32x16xf32, #tpu.memory_space<vmem>>, %arg2: memref<1x1xf32, #tpu.memory_space<smem>>) attributes {dimension_semantics = [], scalar_prefetch = 0 : i64, scratch_operands = 0 : i64, tpu.core_type = #tpu.core_type<tc>} {
    %get3A = arith.constant 0 : index
    %get3A_0 = arith.constant 0 : index
    %get3A_1 = memref.load %arg0[%get3A, %get3A_0] : memref<1x1xf32, #tpu.memory_space<smem>>
    %get3A_2 = arith.constant 0 : index
    %get3A_3 = arith.constant 0 : index
    %get3A_4 = vector.load %arg1[%get3A_2, %get3A_3] : memref<32x16xf32, #tpu.memory_space<vmem>>, vector<32x16xf32>
    %reduce_sum3A = vector.shape_cast %get3A_4 : vector<32x16xf32> to vector<1x32x16xf32>
    %reduce_sum3A_5 = arith.constant dense<0.000000e+00> : vector<1xf32>
    %reduce_sum3A_6 = vector.multi_reduction <add>, %reduce_sum3A, %reduce_sum3A_5 [1, 2] : vector<1x32x16xf32> to vector<1xf32>
    %reduce_sum3A_7 = vector.shape_cast %reduce_sum3A_6 : vector<1xf32> to vector<1x1x1xf32>
    %reduce_sum3A_8 = vector.extract %reduce_sum3A_7[0, 0, 0] : f32 from vector<1x1x1xf32>
    %add3A = arith.addf %get3A_1, %reduce_sum3A_8 : f32
    %swap3A = arith.constant 0 : index
    %swap3A_9 = arith.constant 0 : index
    %swap3A_10 = memref.load %arg2[%swap3A, %swap3A_9] : memref<1x1xf32, #tpu.memory_space<smem>>
    memref.store %add3A, %arg2[%swap3A, %swap3A_9] : memref<1x1xf32, #tpu.memory_space<smem>>
    return
  }
}

module attributes {stable_mosaic.version = 14 : i64} {
  func.func @_tc_body(%arg0: i32, %arg1: memref<128x32768xf32, #tpu.memory_space<vmem>>, %arg2: memref<128x1xi32, #tpu.memory_space<vmem>>, %arg3: memref<1x1xf32, #tpu.memory_space<smem>>) attributes {dimension_semantics = [#tpu.dimension_semantics<arbitrary>], iteration_bounds = array<i64: 32>, scalar_prefetch = 0 : i64, scratch_operands = 0 : i64, tpu.core_type = #tpu.core_type<tc>, window_params = [{transform_indices = @transform_0, window_bounds = array<i64: 128, 32768>}, {transform_indices = @transform_1, window_bounds = array<i64: 128, 1>}, {transform_indices = @transform_2, window_bounds = array<i64: 1, 1>}]} {
    %get3A = arith.constant 0 : index
    %get3A_0 = arith.constant 0 : index
    %get3A_1 = vector.load %arg2[%get3A, %get3A_0] : memref<128x1xi32, #tpu.memory_space<vmem>>, vector<128x1xi32>
    %ne3A = arith.constant 0 : i32
    %ne3A_2 = vector.broadcast %ne3A : i32 to vector<128x1xi32>
    %ne3A_3 = arith.cmpi ne, %get3A_1, %ne3A_2 : vector<128x1xi32>
    %get3A_4 = arith.constant 0 : index
    %get3A_5 = arith.constant 0 : index
    %get3A_6 = vector.load %arg1[%get3A_4, %get3A_5] : memref<128x32768xf32, #tpu.memory_space<vmem>>, vector<128x32768xf32>
    %reduce_sum3A = arith.constant dense<0.000000e+00> : vector<128xf32>
    %reduce_sum3A_7 = vector.multi_reduction <add>, %get3A_6, %reduce_sum3A [1] : vector<128x32768xf32> to vector<128xf32>
    %broadcast_in_dim3A = vector.shape_cast %reduce_sum3A_7 : vector<128xf32> to vector<128x1xf32>
    %jit3A = arith.constant 0.000000e+00 : f32
    %broadcast_in_dim3A_8 = vector.broadcast %jit3A : f32 to vector<128x1xf32>
    %select_n3A = arith.select %ne3A_3, %broadcast_in_dim3A, %broadcast_in_dim3A_8 : vector<128x1xi1>, vector<128x1xf32>
    %reduce_sum3A_9 = vector.shape_cast %select_n3A : vector<128x1xf32> to vector<1x128x1xf32>
    %reduce_sum3A_10 = arith.constant dense<0.000000e+00> : vector<1xf32>
    %reduce_sum3A_11 = vector.multi_reduction <add>, %reduce_sum3A_9, %reduce_sum3A_10 [1, 2] : vector<1x128x1xf32> to vector<1xf32>
    %reduce_sum3A_12 = vector.shape_cast %reduce_sum3A_11 : vector<1xf32> to vector<1x1x1xf32>
    %reduce_sum3A_13 = vector.extract %reduce_sum3A_12[0, 0, 0] : f32 from vector<1x1x1xf32>
    %get3A_14 = arith.constant 0 : index
    %get3A_15 = arith.constant 0 : index
    %get3A_16 = vector.load %arg1[%get3A_14, %get3A_15] : memref<128x32768xf32, #tpu.memory_space<vmem>>, vector<128x1xf32>
    %jit3A_17 = arith.constant 0.000000e+00 : f32
    %broadcast_in_dim3A_18 = vector.broadcast %jit3A_17 : f32 to vector<128x1xf32>
    %select_n3A_19 = arith.select %ne3A_3, %get3A_16, %broadcast_in_dim3A_18 : vector<128x1xi1>, vector<128x1xf32>
    %reduce_sum3A_20 = vector.shape_cast %select_n3A_19 : vector<128x1xf32> to vector<1x128x1xf32>
    %reduce_sum3A_21 = arith.constant dense<0.000000e+00> : vector<1xf32>
    %reduce_sum3A_22 = vector.multi_reduction <add>, %reduce_sum3A_20, %reduce_sum3A_21 [1, 2] : vector<1x128x1xf32> to vector<1xf32>
    %reduce_sum3A_23 = vector.shape_cast %reduce_sum3A_22 : vector<1xf32> to vector<1x1x1xf32>
    %reduce_sum3A_24 = vector.extract %reduce_sum3A_23[0, 0, 0] : f32 from vector<1x1x1xf32>
    %mul3A = arith.constant 3.05194408E-6 : f32
    %mul3A_25 = arith.mulf %mul3A, %reduce_sum3A_24 : f32
    %mul3A_26 = arith.constant 3.05194408E-6 : f32
    %mul3A_27 = arith.mulf %mul3A_26, %reduce_sum3A_13 : f32
    %sub3A = arith.subf %mul3A_25, %mul3A_27 : f32
    %eq3A = arith.constant 0 : i32
    %eq3A_28 = arith.cmpi eq, %arg0, %eq3A : i32
    %convert_element_type3A = arith.extui %eq3A_28 : i1 to i32
    %cond3A = arith.constant 0 : i32
    %cond3A_29 = arith.cmpi ne, %convert_element_type3A, %cond3A : i32
    scf.if %cond3A_29 {
      %swap3A = arith.constant 0 : index
      %swap3A_34 = arith.constant 0 : index
      %swap3A_35 = memref.load %arg3[%swap3A, %swap3A_34] : memref<1x1xf32, #tpu.memory_space<smem>>
      memref.store %sub3A, %arg3[%swap3A, %swap3A_34] : memref<1x1xf32, #tpu.memory_space<smem>>
    } else {
    }
    %gt3A = arith.constant 0 : i32
    %gt3A_30 = arith.cmpi sgt, %arg0, %gt3A : i32
    %convert_element_type3A_31 = arith.extui %gt3A_30 : i1 to i32
    %cond3A_32 = arith.constant 0 : i32
    %cond3A_33 = arith.cmpi ne, %convert_element_type3A_31, %cond3A_32 : i32
    scf.if %cond3A_33 {
      %get3A_34 = arith.constant 0 : index
      %get3A_35 = arith.constant 0 : index
      %get3A_36 = memref.load %arg3[%get3A_34, %get3A_35] : memref<1x1xf32, #tpu.memory_space<smem>>
      %add3A = arith.addf %get3A_36, %sub3A : f32
      %swap3A = arith.constant 0 : index
      %swap3A_37 = arith.constant 0 : index
      %swap3A_38 = memref.load %arg3[%swap3A, %swap3A_37] : memref<1x1xf32, #tpu.memory_space<smem>>
      memref.store %add3A, %arg3[%swap3A, %swap3A_37] : memref<1x1xf32, #tpu.memory_space<smem>>
    } else {
    }
    return
  }
  func.func @transform_0(%arg0: i32) -> (i32, i32) {
    %c0_i32 = arith.constant 0 : i32
    %c0_i32_0 = arith.constant 0 : i32
    return %arg0, %c0_i32 : i32, i32
  }
  func.func @transform_1(%arg0: i32) -> (i32, i32) {
    %c0_i32 = arith.constant 0 : i32
    %c0_i32_0 = arith.constant 0 : i32
    return %arg0, %c0_i32 : i32, i32
  }
  func.func @transform_2(%arg0: i32) -> (i32, i32) {
    %c0_i32 = arith.constant 0 : i32
    %c0_i32_0 = arith.constant 0 : i32
    %c0_i32_1 = arith.constant 0 : i32
    return %c0_i32, %c0_i32_0 : i32, i32
  }
}

</mosaic_0001>

<sc_bundles>
// kernel: kernel.5.cloned.1.call-start
scs
__scs_entry_jumppad:
0x0: {  	(pc) =	sbr.rel $0x88, $3  }
0x1: {  	(tag) =	ssettag $0x0;
	lr =	simm.s32 $0x1  }
0x2: {  	[smem:$0x3F9F] =	sst lr;
	_ =	strace $0xD0000000  }
0x3: {  	_ = 	snop  }
0x4: {  	_ = 	snop  }
0x5: {  	_ = 	snop  }
0x6: {  	_ = 	snop  }
0x7: {  	_ = 	snop  }
__scs_overlays_trampoline_lowered:
0x8: {  	[smem:$0x3FAE] =	sst s0  }
0x9: {  	[smem:$0x3FAF] =	sst s1  }
0xa: {  	[smem:$0x3FB0] =	sst s2  }
0xb: {  	[smem:$0x3FB1] =	sst s3  }
0xc: {  	[smem:$0x3FB2] =	sst s4  }
0xd: {  	[smem:$0x3FB3] =	sst s5  }
0xe: {  	[smem:$0x3FB4] =	sst s6  }
0xf: {  	[smem:$0x3FB5] =	sst s7  }
0x10: {  	[smem:$0x3FB6] =	sst s8  }
0x11: {  	[smem:$0x3FB7] =	sst s9;
	s0 =	simm.s32 @!p0 $0x0  }
0x12: {  	s1 =	sld [smem:$0x3F9D];
	s0 =	simm.s32 @p0 $0x1  }
0x13: {  	[smem:$0x3FB8] =	sst s0;
	s0 =	simm.s32 @!p1 $0x0  }
0x14: {  	s2 =	sld [smem:$0x3F9C];
	s0 =	simm.s32 @p1 $0x1  }
0x15: {  	[smem:$0x3FB9] =	sst s0;
	s0 =	simm.s32 @!p2 $0x0  }
0x16: {  	s3 =	sld [smem:$0x3FDB];
	s0 =	simm.s32 @p2 $0x1  }
0x17: {  	s4 =	simm.s32 $0x1BF5;
	[smem:$0x3FBB] =	sst s0  }
0x18: {  	s0 =	sld [smem:$0x3F9E];
	_ =	swait.ge [sflag:s4], $0x0  }
0x19: {  	s7 =	sld [smem:$0x3F9F]  }
0x1a: {  	s8 =	sadd.s32 $0xFFFFE003, lr  }
0x1b: {  	s9 =	sadd.s32 $0xFFFFFEF7, lr;
	s5 =	simm.s32 $0xFFFFFFFF;
	p2 =	slt.u32 s8, $0xFFFFF086  }
0x1c: {  	p1 =	slt.u32 s9, $0xF7A;
	s5 =	simm.s32 @!p2 $0x0  }
0x1d: {  	s5 =	simm.s32 @p1 $0x1;
	p0 =	seq.s32 s7, s2  }
0x1e: {  	s7 =	smul.u32 @!p0 $0xF7A, s2;
	p2 =	seq.s32 @!p0 s5, $0x0  }
0x1f: {  	s9 =	smul.u32 $0xF7A, s1;
	s8 =	simm.s32 @!p0 $0x1BF5;
	p2 =	por !p2, p0  }
0x20: {  	[sflag:s8] =	ssyncset.s32 @!p0 $0xFFFFF086;
	s6 =	sadd.s32 @!p0 s3, s7;
	s7 =	simm.s32 @!p0 $0x108  }
0x21: {  	s3 =	sadd.s32 s3, s9;
	s6 =	sadd.s32 @!p0 $0x88, s6;
	s7 =	simm.s32 @p2 $0x1082  }
0x22: {  	[simem:s7], [sflag:s8] =	dma.local @!p0 [hbm:s6], $0xF7A  }
0x23: {  	s9 =	sor.u32 $0xD0000000, s2;
	s6 =	simm.s32 $0x108;
	_ =	swait.ge @!p0 [sflag:s8], $0x0  }
0x24: {  	s3 =	sadd.s32 $0x88, s3;
	s6 =	simm.s32 @!p1 $0x1082;
	[sflag:s4] =	ssyncset.s32 $0xFFFFF086  }
0x25: {  	[simem:s6], [sflag:s4] =	dma.local [hbm:s3], $0xF7A  }
0x26: {  	[smem:$0x3F9F] =	sst s1;
	(tag) =	ssettag s2;
	_ =	strace s9  }
0x27: {  	s1 =	sld [smem:$0x3FAF]  }
0x28: {  	s2 =	sld [smem:$0x3FB0]  }
0x29: {  	s4 =	sld [smem:$0x3FB2]  }
0x2a: {  	p0 =	seq.s32 s5, $0x0;
	s5 =	sld [smem:$0x3FB3]  }
0x2b: {  	s6 =	sld [smem:$0x3FB4]  }
0x2c: {  	s7 =	sld [smem:$0x3FB5]  }
0x2d: {  	s3 =	simm.s32 $0x108;
	s8 =	sld [smem:$0x3FB6]  }
0x2e: {  	s3 =	simm.s32 @!p0 $0x1082;
	s9 =	sld [smem:$0x3FB7]  }
0x2f: {  	lr =	sadd.s32 s0, s3;
	s0 =	sld [smem:$0x3FAE]  }
0x30: {  	s3 =	sld [smem:$0x3FB1]  }
0x31: {  	[smem:$0x3FBA] =	sst s10  }
0x32: {  	s10 =	sld [smem:$0x3FB8];
	_ =	sdelay $0x3  }
0x33: {  	p0 =	seq.s32 s10, $0x1;
	s10 =	sld [smem:$0x3FBA];
	_ =	sdelay $0x3  }
0x34: {  	[smem:$0x3FBA] =	sst s10  }
0x35: {  	s10 =	sld [smem:$0x3FB9];
	_ =	sdelay $0x3  }
0x36: {  	p1 =	seq.s32 s10, $0x1;
	s10 =	sld [smem:$0x3FBA];
	_ =	sdelay $0x3  }
0x37: {  	[smem:$0x3FBA] =	sst s10  }
0x38: {  	s10 =	sld [smem:$0x3FBB]  }
0x39: {  	_ = 	snop;
	(pc) =	sbr.ind lr, $3  }
0x3a: {  	_ = 	snop  }
0x3b: {  	_ = 	snop  }
0x3c: {  	p2 =	seq.s32 s10, $0x1;
	s10 =	sld [smem:$0x3FBA]  }
0x3d: {  	_ =	shalt  }
0x3e: {  	_ =	shalt  }
0x3f: {  	_ =	shalt  }
0x40: {  	_ =	shalt  }
0x41: {  	_ =	shalt  }
0x42: {  	_ =	shalt  }
0x43: {  	_ =	shalt  }
0x44: {  	_ =	shalt  }
0x45: {  	_ =	shalt  }
0x46: {  	_ =	shalt  }
0x47: {  	_ =	shalt  }
0x48: {  	_ =	shalt  }
0x49: {  	_ =	shalt  }
0x4a: {  	_ =	shalt  }
0x4b: {  	_ =	shalt  }
0x4c: {  	_ =	shalt  }
0x4d: {  	_ =	shalt  }
0x4e: {  	_ =	shalt  }
0x4f: {  	_ =	shalt  }
0x50: {  	_ =	shalt  }
0x51: {  	_ =	shalt  }
0x52: {  	_ =	shalt  }
0x53: {  	_ =	shalt  }
0x54: {  	_ =	shalt  }
0x55: {  	_ =	shalt  }
0x56: {  	_ =	shalt  }
0x57: {  	_ =	shalt  }
0x58: {  	_ =	shalt  }
0x59: {  	_ =	shalt  }
0x5a: {  	_ =	shalt  }
0x5b: {  	_ =	shalt  }
0x5c: {  	_ =	shalt  }
0x5d: {  	_ =	shalt  }
0x5e: {  	_ =	shalt  }
0x5f: {  	_ =	shalt  }
0x60: {  	_ =	shalt  }
0x61: {  	_ =	shalt  }
0x62: {  	_ =	shalt  }
0x63: {  	_ =	shalt  }
0x64: {  	_ =	shalt  }
0x65: {  	_ =	shalt  }
0x66: {  	_ =	shalt  }
0x67: {  	_ =	shalt  }
0x68: {  	_ =	shalt  }
0x69: {  	_ =	shalt  }
0x6a: {  	_ =	shalt  }
0x6b: {  	_ =	shalt  }
0x6c: {  	_ =	shalt  }
0x6d: {  	_ =	shalt  }
0x6e: {  	_ =	shalt  }
0x6f: {  	_ =	shalt  }
0x70: {  	_ =	shalt  }
0x71: {  	_ =	shalt  }
0x72: {  	_ =	shalt  }
0x73: {  	_ =	shalt  }
0x74: {  	_ =	shalt  }
0x75: {  	_ =	shalt  }
0x76: {  	_ =	shalt  }
0x77: {  	_ =	shalt  }
0x78: {  	_ =	shalt  }
0x79: {  	_ =	shalt  }
0x7a: {  	_ =	shalt  }
0x7b: {  	_ =	shalt  }
0x7c: {  	_ =	shalt  }
0x7d: {  	_ =	shalt  }
0x7e: {  	_ =	shalt  }
0x7f: {  	_ =	shalt  }
0x80: {  	_ =	shalt  }
0x81: {  	_ =	shalt  }
0x82: {  	_ =	shalt  }
0x83: {  	_ =	shalt  }
0x84: {  	_ =	shalt  }
0x85: {  	_ =	shalt  }
0x86: {  	_ =	shalt  }
0x87: {  	_ =	shalt  }
.Lfunc_end0:
.L_simem_size_0:
called_computation_lowered:
.L_overlay_start_0:
0x88: {  	s2 =	sld [smem:$0x3FD9]  }
0x89: {  	s3 =	sld [smem:$0x3FFE];
	_ =	sdelay $0x1  }
0x8a: {  	s1 =	srdreg.scid  }
0x8b: {  	s0 =	sand.u32 $0x1, s1  }
0x8c: {  	s17 =	sshll.u32 s0, $0xA;
	s2 =	sadd.s32 s3, s2  }
0x8d: {  	s2 =	sadd.s32 s2, s17  }
0x8e: {  	[smem:$0x3FC6] =	sst s2  }
0x8f: {  	_ = 	snop  }
0x90: {  	s2 =	sld [smem:$0x3FC9];
	(tm) =	ssettm $0x1  }
0x91: {  	s18 =	sld [smem:$0x3FFB];
	_ =	sdelay $0x3  }
0x92: {  	_ =	strace s18  }
0x93: {  	s3 =	sld [smem:$0x3FFC];
	_ =	sdelay $0x3  }
0x94: {  	_ =	strace s3  }
0x95: {  	s3 =	sld [smem:$0x3FFD];
	_ =	sdelay $0x3  }
0x96: {  	_ =	strace s3  }
0x97: {  	_ =	strace $0x8FFFFFFF  }
0x98: {  	s19 =	sld [smem:$0x3FDB];
	_ =	sdelay $0x1  }
0x99: {  	s4 =	simm.s32 $_scs_section_size  }
0x9a: {  	s5 =	simm.s32 $_size__tile_overlayer_lowered;
	s6 =	simm.s32 $_tile_overlayer_lowered  }
0x9b: {  	s22 =	simm.s32 $0x1BFF;
	s21 =	sshll.u32 s6, $0x1;
	s3 =	sadd.s32 s4, s19  }
0x9c: {  	s7 =	simm.s32 $0x0;
	s20 =	sshll.u32 s5, $0x1;
	s5 =	sadd.s32 s21, s3  }
0x9d: {  	[timem:s7], [sflag:s22] =	dma.local [hbm:s5], s20  }
0x9e: {  	_ =	swait.ge [sflag:s22], s20  }
0x9f: {  	s4 =	ssub.s32 $0x0, s20;
	[sflag:s22] =	ssyncset.done $0x0  }
0xa0: {  	[sflag:s22] =	ssyncadd.s32 s4;
	_ =	sdelay $0x1  }
0xa1: {  	s23 =	simm.s32 $0x1B8B  }
0xa2: {  	_ =	swait.ge [sflag:s23], $0x1  }
0xa3: {  	[sflag:s23] =	ssyncset.done $0x0  }
0xa4: {  	s25 =	simm.s32 $0x1B8E;
	s24 =	sld [smem:$0x3FFE];
	[sflag:s23] =	ssyncadd.s32 $0xFFFFFFFF  }
0xa5: {  	s26 =	simm.s32 $execute0_lowered;
	[smem:$0x3FD2] =	sst s25  }
0xa6: {  	s5 =	sshll.u32 s26, $0x1;
	_ =	strace $0x80000046;
	[dreg:$0x1] =	wrdreg $0xFFFFFFFF  }
0xa7: {  	s28 =	simm.s32 $_size_execute0_lowered;
	s3 =	sadd.s32 s3, s5;
	[dreg:$0x0] =	wrdreg $0x0  }
0xa8: {  	s5 =	sshll.u32 s28, $0x1;
	[dreg:$0x2] =	wrdreg s3  }
0xa9: {  	[dreg:$0x3] =	wrdreg s5  }
0xaa: {  	[dreg:$0x4] =	wrdreg $0xC0  }
0xab: {  	_ =	task [dreg:s7], $0x5FFFF  }
0xac: {  	[dreg:$0x1] =	wrdreg $0xFFFFFFFF  }
0xad: {  	[dreg:$0x0] =	wrdreg $0x60  }
0xae: {  	[dreg:$0x2] =	wrdreg s2  }
0xaf: {  	[dreg:$0x3] =	wrdreg s24  }
0xb0: {  	[dreg:$0x4] =	wrdreg $0x9  }
0xb1: {  	_ =	task.clear_ibuf [dreg:s7], $0x5FFFF;
	_ =	strace $0x90000046  }
0xb2: {  	s29 =	simm.s32 $0x9;
	_ =	strace $0x80000048  }
0xb3: {  	_ =	swait.ge [sflag:s29], $0x1  }
0xb4: {  	[sflag:s29] =	ssyncadd.s32 $0xFFFFFFFF  }
0xb5: {  	_ =	strace $0x90000048  }
0xb6: {  	_ =	sfence  }
0xb7: {  	s30 =	sld [smem:$0x0];
	_ =	sdelay $0x2  }
0xb8: {  	s31 =	sshll.u32 s1, $0xD;
	s1 =	sshrl.u32 s1, $0x2  }
0xb9: {  	s3 =	sand.u32 $0x4000, s31;
	s1 =	sadd.s32 s1, s30  }
0xba: {  	s0 =	sor.u32 s3, s0;
	s1 =	sshll.u32 s1, $0x11  }
0xbb: {  	s0 =	sor.u32 s1, s0  }
0xbc: {  	s0 =	sadd.s32 $0x8F2B, s0  }
0xbd: {  	[sflag:s0] =	ssyncadd.remote.s32 $0x1  }
0xbe: {  	_ =	sfence.sel $0xFFFF  }
0xbf: {  	[dreg:$0x0] =	wrdreg $0xFFFFFFFF;
	(pc) =	sbr.abs _section_cstart, $3  }
0xc0: {  	[dreg:$0x1] =	wrdreg $0xFFFFFFFF  }
0xc1: {  	_ =	task.clear_ibuf [dreg:s7], $0x2FFFF;
	_ =	strace $0x9FFFFFFF  }
0xc2: {  	(tm) =	ssettm $0x7FFFFFFF  }
0xc3: {  	_ =	shalt  }
tec
execute0_lowered:
.L_overlay_start_1:
0x0: {  	(tag) =	ssettag $0x1  }
0x1: {  	s1 =	rddreg [dreg:$0x0]  }
0x2: {  	s4 =	rddreg [dreg:$0x1];
	s3 =	simm.s32 $0x0  }
0x3: {  	s13 =	simm.s32 $0x80;
	[smem:$0x7FF] =	sst s3  }
0x4: {  	s14 =	simm.s32 $0x480;
	_ =	strace $0x80000047;
	[dreg:$0x4] =	wrdreg s13  }
0x5: {  	s15 =	simm.s32 $0x880;
	[dreg:$0x5] =	wrdreg s14  }
0x6: {  	s16 =	simm.s32 $0xC80;
	[dreg:$0x6] =	wrdreg s15  }
0x7: {  	s17 =	simm.s32 $0x1080;
	[dreg:$0x7] =	wrdreg s16  }
0x8: {  	s18 =	simm.s32 $0x1480;
	[dreg:$0x8] =	wrdreg s17  }
0x9: {  	s5 =	srdreg.scid;
	s19 =	simm.s32 $0x1880;
	[dreg:$0x9] =	wrdreg s18  }
0xa: {  	s2 =	stileid.u32;
	s21 =	simm.s32 $0x1C80;
	[dreg:$0xa] =	wrdreg s19  }
0xb: {  	s22 =	simm.s32 $0x2080;
	s23 =	simm.s32 $0x2480;
	[dreg:$0xb] =	wrdreg s21  }
0xc: {  	s24 =	simm.s32 $0x2880;
	s25 =	simm.s32 $0x2C80;
	[dreg:$0xc] =	wrdreg s22  }
0xd: {  	s28 =	simm.s32 $0x3080;
	s29 =	simm.s32 $0x3480;
	[dreg:$0xd] =	wrdreg s23  }
0xe: {  	s30 =	simm.s32 $0x3880;
	s31 =	simm.s32 $0x3C80;
	[dreg:$0xe] =	wrdreg s24  }
0xf: {  	s9 =	simm.s32 $0x4080;
	s10 =	simm.s32 $0x0;
	[dreg:$0xf] =	wrdreg s25  }
0x10: {  	s5 =	sand.u32 $0x1, s5;
	s6 =	sshll.u32 s2, $0x17;
	[dreg:$0x10] =	wrdreg s28  }
0x11: {  	s20 =	sshll.u32 s2, $0x5;
	s7 =	sshll.u32 s5, $0x16;
	[dreg:$0x11] =	wrdreg s29  }
0x12: {  	s8 =	sshll.u32 s5, $0x4;
	s5 =	ssub.s32 $0x2, s5;
	[dreg:$0x12] =	wrdreg s30  }
0x13: {  	[dreg:$0x13] =	wrdreg s31;
	s6 =	sor.u32 s7, s6;
	s7 =	sor.u32 s8, s20  }
0x14: {  	s26 =	sshrl.u32 s5, $0x1;
	s8 =	simm.s32 $0x1;
	s7 =	sadd.s32 s7, s4  }
0x15: {  	[dreg:$0x3] =	wrdreg s6;
	s6 =	ssub.s32 s5, s26;
	s4 =	sadd.s32 $0x800, s7  }
0x16: {  	v0 =	vlaneseq.u32;
	s5 =	sadd.s32 $0xA00, s7;
	s6 =	smax.u32 s6, $0x1;
	s7 =	simm.s32 $0x2  }
.LBB2_1:
0x17: {  	[tilespmem:s3], [sflag:$0x2] =	stream.linear.gather [hbm4b:s4+s3], $0x80, $0x38;
	[tilespmem:$0x4100] =	vst v63  }
0x18: {  	_ =	swait.ge [sflag:s7], $0x80  }
0x19: {  	[sflag:s7] =	ssyncset.done $0x0  }
0x1a: {  	v1 =	vimm.f32 $0.0e+00;
	s11 =	simm.s32 $0x0;
	s12 =	simm.s32 $0x0;
	[sflag:s7] =	ssyncadd.s32 $0xFFFFFF80  }
.LBB2_2:
0x1b: {  	v2 =	vld [tilespmem:s11+$0x0];
	_ =	sdelay $0x4  }
0x1c: {  	(v2sf) =	vpush v2, $0x0;
	_ =	sdelay $0x3  }
0x1d: {  	(v2sf) =	vpush v2, $0x1;
	_ =	sdelay $0x4  }
0x1e: {  	(v2sf) =	vpush v2, $0x2;
	_ =	sdelay $0x5  }
0x1f: {  	s13 =	spop (v2sf)  }
0x20: {  	(v2sf) =	vpush v2, $0x3;
	s21 =	scvt.f32.s32 s13;
	_ =	sdelay $0x1  }
0x21: {  	s31 =	rddreg [dreg:$0x3];
	s14 =	sshll.u32 s21, $0x3  }
0x22: {  	s30 =	sadd.s32 s12, s31;
	s15 =	spop (v2sf);
	s14 =	sand.u32 $0x7FFFFC00, s14  }
0x23: {  	(v2sf) =	vpush v2, $0x4;
	s28 =	scvt.f32.s32 s15;
	s13 =	sadd.s32 s14, s30  }
0x24: {  	s13 =	sshrl.u32 s13, $0x3  }
0x25: {  	s0 =	rddreg [dreg:$0x4];
	s15 =	sshll.u32 s28, $0x3;
	s13 =	sadd.s32 s1, s13  }
0x26: {  	[tilespmem:s0], [sflag:$0x1] =	stream.linear.gather [hbm4b:s13+s3], $0x400, $0x38;
	[tilespmem:$0x4100] =	vst v63  }
0x27: {  	s17 =	spop (v2sf);
	s13 =	sand.u32 $0x7FFFFC00, s15  }
0x28: {  	(v2sf) =	vpush v2, $0x5;
	s24 =	scvt.f32.s32 s17;
	s13 =	sadd.s32 s13, s30  }
0x29: {  	s13 =	sshrl.u32 s13, $0x3  }
0x2a: {  	s16 =	rddreg [dreg:$0x5];
	s18 =	sshll.u32 s24, $0x3;
	s13 =	sadd.s32 s1, s13  }
0x2b: {  	[tilespmem:s16], [sflag:$0x1] =	stream.linear.gather [hbm4b:s13+s3], $0x400, $0x38;
	[tilespmem:$0x4100] =	vst v63  }
0x2c: {  	s13 =	sand.u32 $0x7FFFFC00, s18  }
0x2d: {  	s13 =	sadd.s32 s13, s30  }
0x2e: {  	s13 =	sshrl.u32 s13, $0x3;
	s20 =	spop (v2sf)  }
0x2f: {  	s19 =	rddreg [dreg:$0x6];
	s13 =	sadd.s32 s1, s13;
	(v2sf) =	vpush v2, $0x6;
	s23 =	scvt.f32.s32 s20  }
0x30: {  	[tilespmem:s19], [sflag:$0x1] =	stream.linear.gather [hbm4b:s13+s3], $0x400, $0x38;
	[tilespmem:$0x4100] =	vst v63  }
0x31: {  	s22 =	sshll.u32 s23, $0x3  }
0x32: {  	s26 =	spop (v2sf);
	s13 =	sand.u32 $0x7FFFFC00, s22  }
0x33: {  	(v2sf) =	vpush v2, $0x7;
	s18 =	scvt.f32.s32 s26;
	s13 =	sadd.s32 s13, s30  }
0x34: {  	s13 =	sshrl.u32 s13, $0x3  }
0x35: {  	s25 =	rddreg [dreg:$0x7];
	s29 =	sshll.u32 s18, $0x3;
	s13 =	sadd.s32 s1, s13  }
0x36: {  	[tilespmem:s25], [sflag:$0x1] =	stream.linear.gather [hbm4b:s13+s3], $0x400, $0x38;
	[tilespmem:$0x4100] =	vst v63  }
0x37: {  	s0 =	spop (v2sf);
	s13 =	sand.u32 $0x7FFFFC00, s29  }
0x38: {  	s25 =	scvt.f32.s32 s0;
	s13 =	sadd.s32 s13, s30  }
0x39: {  	s13 =	sshrl.u32 s13, $0x3  }
0x3a: {  	s31 =	rddreg [dreg:$0x8];
	(v2sf) =	vpush v2, $0x8;
	s16 =	sshll.u32 s25, $0x3;
	s13 =	sadd.s32 s1, s13  }
0x3b: {  	[tilespmem:s31], [sflag:$0x1] =	stream.linear.gather [hbm4b:s13+s3], $0x400, $0x38;
	[tilespmem:$0x4100] =	vst v63  }
0x3c: {  	s13 =	sand.u32 $0x7FFFFC00, s16  }
0x3d: {  	s13 =	sadd.s32 s13, s30  }
0x3e: {  	s13 =	sshrl.u32 s13, $0x3;
	s19 =	spop (v2sf)  }
0x3f: {  	s17 =	rddreg [dreg:$0x9];
	s13 =	sadd.s32 s1, s13;
	s19 =	scvt.f32.s32 s19  }
0x40: {  	[tilespmem:s17], [sflag:$0x1] =	stream.linear.gather [hbm4b:s13+s3], $0x400, $0x38;
	[tilespmem:$0x4100] =	vst v63  }
0x41: {  	(v2sf) =	vpush v2, $0x9;
	s20 =	sshll.u32 s19, $0x3  }
0x42: {  	s26 =	spop (v2sf);
	s13 =	sand.u32 $0x7FFFFC00, s20  }
0x43: {  	s17 =	scvt.f32.s32 s26;
	s13 =	sadd.s32 s13, s30  }
0x44: {  	s13 =	sshrl.u32 s13, $0x3  }
0x45: {  	s22 =	rddreg [dreg:$0xa];
	s29 =	sshll.u32 s17, $0x3;
	s13 =	sadd.s32 s1, s13  }
0x46: {  	(v2sf) =	vpush v2, $0xA;
	[tilespmem:s22], [sflag:$0x1] =	stream.linear.gather [hbm4b:s13+s3], $0x400, $0x38;
	[tilespmem:$0x4100] =	vst v63  }
0x47: {  	s13 =	sand.u32 $0x7FFFFC00, s29  }
0x48: {  	s13 =	sadd.s32 s13, s30  }
0x49: {  	s0 =	spop (v2sf);
	s16 =	sshrl.u32 s13, $0x3  }
0x4a: {  	s31 =	rddreg [dreg:$0xb];
	s13 =	scvt.f32.s32 s0;
	s20 =	sadd.s32 s1, s16  }
0x4b: {  	[tilespmem:s31], [sflag:$0x1] =	stream.linear.gather [hbm4b:s20+s3], $0x400, $0x38;
	[tilespmem:$0x4100] =	vst v63  }
0x4c: {  	(v2sf) =	vpush v2, $0xB;
	s22 =	sshll.u32 s13, $0x3  }
0x4d: {  	s14 =	sand.u32 $0x7FFFFC00, s22  }
0x4e: {  	s14 =	sadd.s32 s14, s30  }
0x4f: {  	s14 =	sadd.s32 $0x40000, s14  }
0x50: {  	s29 =	spop (v2sf);
	s14 =	sshrl.u32 s14, $0x3  }
0x51: {  	s26 =	rddreg [dreg:$0xc];
	s20 =	scvt.f32.s32 s29;
	s14 =	sadd.s32 s1, s14  }
0x52: {  	[tilespmem:s26], [sflag:$0x1] =	stream.linear.gather [hbm4b:s14+s3], $0x400, $0x38;
	[tilespmem:$0x4100] =	vst v63  }
0x53: {  	s31 =	sshll.u32 s20, $0x3  }
0x54: {  	(v2sf) =	vpush v2, $0xC;
	s14 =	sand.u32 $0x7FFFFC00, s31  }
0x55: {  	s22 =	spop (v2sf);
	s14 =	sadd.s32 s14, s30  }
0x56: {  	s15 =	scvt.f32.s32 s22;
	s14 =	sadd.s32 $0x40000, s14  }
0x57: {  	s14 =	sshrl.u32 s14, $0x3  }
0x58: {  	s0 =	rddreg [dreg:$0xd];
	s26 =	sshll.u32 s15, $0x3;
	s14 =	sadd.s32 s1, s14  }
0x59: {  	[tilespmem:s0], [sflag:$0x1] =	stream.linear.gather [hbm4b:s14+s3], $0x400, $0x38;
	[tilespmem:$0x4100] =	vst v63  }
0x5a: {  	s14 =	sand.u32 $0x7FFFFC00, s26  }
0x5b: {  	(v2sf) =	vpush v2, $0xD;
	s29 =	spop (v2sf);
	s14 =	sadd.s32 s14, s30  }
0x5c: {  	s16 =	scvt.f32.s32 s29;
	s14 =	sadd.s32 $0x40000, s14  }
0x5d: {  	s14 =	sshrl.u32 s14, $0x3  }
0x5e: {  	s22 =	rddreg [dreg:$0xe];
	s31 =	sshll.u32 s16, $0x3;
	s14 =	sadd.s32 s1, s14  }
0x5f: {  	[tilespmem:s22], [sflag:$0x1] =	stream.linear.gather [hbm4b:s14+s3], $0x400, $0x38;
	[tilespmem:$0x4100] =	vst v63  }
0x60: {  	s14 =	sand.u32 $0x7FFFFC00, s31  }
0x61: {  	s14 =	sadd.s32 s14, s30  }
0x62: {  	(v2sf) =	vpush v2, $0xE;
	s14 =	sadd.s32 $0x40000, s14  }
0x63: {  	s26 =	spop (v2sf);
	s29 =	sshrl.u32 s14, $0x3  }
0x64: {  	s0 =	rddreg [dreg:$0xf];
	s14 =	scvt.f32.s32 s26;
	s29 =	sadd.s32 s1, s29  }
0x65: {  	[tilespmem:s0], [sflag:$0x1] =	stream.linear.gather [hbm4b:s29+s3], $0x400, $0x38;
	[tilespmem:$0x4100] =	vst v63  }
0x66: {  	s31 =	sshll.u32 s14, $0x3  }
0x67: {  	s22 =	sand.u32 $0x7FFFFC00, s31  }
0x68: {  	s22 =	sadd.s32 s22, s30  }
0x69: {  	(v2sf) =	vpush v2, $0xF;
	s22 =	sadd.s32 $0x40000, s22  }
0x6a: {  	[smem:$0x0] =	sst s21;
	s0 =	spop (v2sf);
	s31 =	sshrl.u32 s22, $0x3  }
0x6b: {  	s26 =	rddreg [dreg:$0x10];
	s22 =	scvt.f32.s32 s0;
	s31 =	sadd.s32 s1, s31  }
0x6c: {  	[tilespmem:s26], [sflag:$0x1] =	stream.linear.gather [hbm4b:s31+s3], $0x400, $0x38;
	[tilespmem:$0x4100] =	vst v63  }
0x6d: {  	[smem:$0x1] =	sst s28;
	s0 =	sshll.u32 s22, $0x3  }
0x6e: {  	[smem:$0x2] =	sst s24;
	s26 =	sand.u32 $0x7FFFFC00, s0  }
0x6f: {  	[smem:$0x3] =	sst s23;
	s26 =	sadd.s32 s26, s30  }
0x70: {  	[smem:$0x4] =	sst s18;
	s26 =	sadd.s32 $0x40000, s26  }
0x71: {  	[smem:$0x5] =	sst s25;
	s31 =	spop (v2sf);
	s0 =	sshrl.u32 s26, $0x3  }
0x72: {  	s29 =	rddreg [dreg:$0x11];
	s26 =	scvt.f32.s32 s31;
	s0 =	sadd.s32 s1, s0  }
0x73: {  	[tilespmem:s29], [sflag:$0x1] =	stream.linear.gather [hbm4b:s0+s3], $0x400, $0x38;
	[tilespmem:$0x4100] =	vst v63  }
0x74: {  	[smem:$0x6] =	sst s19;
	s29 =	sshll.u32 s26, $0x3  }
0x75: {  	[smem:$0x7] =	sst s17;
	s0 =	sand.u32 $0x7FFFFC00, s29  }
0x76: {  	[smem:$0x8] =	sst s13;
	s0 =	sadd.s32 s0, s30  }
0x77: {  	[smem:$0x9] =	sst s20;
	s0 =	sadd.s32 $0x40000, s0  }
0x78: {  	[smem:$0xA] =	sst s15;
	s29 =	spop (v2sf);
	s0 =	sshrl.u32 s0, $0x3  }
0x79: {  	s31 =	rddreg [dreg:$0x12];
	s29 =	scvt.f32.s32 s29;
	s0 =	sadd.s32 s1, s0  }
0x7a: {  	[tilespmem:s31], [sflag:$0x1] =	stream.linear.gather [hbm4b:s0+s3], $0x400, $0x38;
	[tilespmem:$0x4100] =	vst v63  }
0x7b: {  	[smem:$0xB] =	sst s16;
	s31 =	sshll.u32 s29, $0x3  }
0x7c: {  	[smem:$0xC] =	sst s14;
	s0 =	sand.u32 $0x7FFFFC00, s31  }
0x7d: {  	[smem:$0xD] =	sst s22;
	s0 =	sadd.s32 s0, s30  }
0x7e: {  	[smem:$0xE] =	sst s26;
	s0 =	sadd.s32 $0x40000, s0  }
0x7f: {  	[smem:$0xF] =	sst s29;
	s0 =	sshrl.u32 s0, $0x3  }
0x80: {  	s31 =	rddreg [dreg:$0x13];
	s0 =	sadd.s32 s1, s0  }
0x81: {  	[tilespmem:s31], [sflag:$0x1] =	stream.linear.gather [hbm4b:s0+s3], $0x400, $0x38;
	[tilespmem:$0x4100] =	vst v63  }
0x82: {  	_ =	swait.ge [sflag:s8], $0x400  }
0x83: {  	[sflag:s8] =	ssyncset.done $0x0  }
0x84: {  	[sflag:s8] =	ssyncadd.s32 $0xFFFFFC00  }
0x85: {  	_ =	swait.ge [sflag:s8], $0x400  }
0x86: {  	[sflag:s8] =	ssyncset.done $0x0  }
0x87: {  	[sflag:s8] =	ssyncadd.s32 $0xFFFFFC00  }
0x88: {  	_ =	swait.ge [sflag:s8], $0x400  }
0x89: {  	[sflag:s8] =	ssyncset.done $0x0  }
0x8a: {  	[sflag:s8] =	ssyncadd.s32 $0xFFFFFC00  }
0x8b: {  	_ =	swait.ge [sflag:s8], $0x400  }
0x8c: {  	[sflag:s8] =	ssyncset.done $0x0  }
0x8d: {  	[sflag:s8] =	ssyncadd.s32 $0xFFFFFC00  }
0x8e: {  	_ =	swait.ge [sflag:s8], $0x400  }
0x8f: {  	[sflag:s8] =	ssyncset.done $0x0  }
0x90: {  	[sflag:s8] =	ssyncadd.s32 $0xFFFFFC00  }
0x91: {  	_ =	swait.ge [sflag:s8], $0x400  }
0x92: {  	[sflag:s8] =	ssyncset.done $0x0  }
0x93: {  	[sflag:s8] =	ssyncadd.s32 $0xFFFFFC00  }
0x94: {  	_ =	swait.ge [sflag:s8], $0x400  }
0x95: {  	[sflag:s8] =	ssyncset.done $0x0  }
0x96: {  	[sflag:s8] =	ssyncadd.s32 $0xFFFFFC00  }
0x97: {  	_ =	swait.ge [sflag:s8], $0x400  }
0x98: {  	[sflag:s8] =	ssyncset.done $0x0  }
0x99: {  	[sflag:s8] =	ssyncadd.s32 $0xFFFFFC00  }
0x9a: {  	_ =	swait.ge [sflag:s8], $0x400  }
0x9b: {  	[sflag:s8] =	ssyncset.done $0x0  }
0x9c: {  	[sflag:s8] =	ssyncadd.s32 $0xFFFFFC00  }
0x9d: {  	_ =	swait.ge [sflag:s8], $0x400  }
0x9e: {  	[sflag:s8] =	ssyncset.done $0x0  }
0x9f: {  	[sflag:s8] =	ssyncadd.s32 $0xFFFFFC00  }
0xa0: {  	_ =	swait.ge [sflag:s8], $0x400  }
0xa1: {  	[sflag:s8] =	ssyncset.done $0x0  }
0xa2: {  	[sflag:s8] =	ssyncadd.s32 $0xFFFFFC00  }
0xa3: {  	_ =	swait.ge [sflag:s8], $0x400  }
0xa4: {  	[sflag:s8] =	ssyncset.done $0x0  }
0xa5: {  	[sflag:s8] =	ssyncadd.s32 $0xFFFFFC00  }
0xa6: {  	_ =	swait.ge [sflag:s8], $0x400  }
0xa7: {  	[sflag:s8] =	ssyncset.done $0x0  }
0xa8: {  	[sflag:s8] =	ssyncadd.s32 $0xFFFFFC00  }
0xa9: {  	_ =	swait.ge [sflag:s8], $0x400  }
0xaa: {  	[sflag:s8] =	ssyncset.done $0x0  }
0xab: {  	[sflag:s8] =	ssyncadd.s32 $0xFFFFFC00  }
0xac: {  	_ =	swait.ge [sflag:s8], $0x400  }
0xad: {  	[sflag:s8] =	ssyncset.done $0x0  }
0xae: {  	[sflag:s8] =	ssyncadd.s32 $0xFFFFFC00  }
0xaf: {  	_ =	swait.ge [sflag:s8], $0x400  }
0xb0: {  	[sflag:s8] =	ssyncset.done $0x0  }
0xb1: {  	s31 =	sand.u32 $0x70, s21;
	[sflag:s8] =	ssyncadd.s32 $0xFFFFFC00  }
0xb2: {  	s30 =	sand.u32 $0x70, s28;
	v2 =	vld [tilespmem:s31+$0x80]  }
0xb3: {  	v3 =	vld [tilespmem:s30+$0x500];
	_ =	sdelay $0x1  }
0xb4: {  	s31 =	sand.u32 $0x70, s24  }
0xb5: {  	p0 =	seq.s32 s21, $0x0;
	s0 =	sand.u32 $0xF, s21;
	v4 =	vld [tilespmem:s31+$0x980]  }
0xb6: {  	s0 =	simm.s32 @p0 $0xFFFFFFFF;
	v2 =	vmul.f32 $8.999969360e-01, v2  }
0xb7: {  	p0 =	seq.s32 s28, $0x0;
	s28 =	sand.u32 $0xF, s28;
	s30 =	sand.u32 $0x70, s23;
	v3 =	vmul.f32 $8.999969360e-01, v3  }
0xb8: {  	v6 =	vmov s0;
	s28 =	simm.s32 @p0 $0xFFFFFFFF;
	v5 =	vld [tilespmem:s30+$0xE00];
	v2 =	vsub.f32 $-1.364797590e+00, v2  }
0xb9: {  	vm0 =	veq.s32 v6, v0;
	v39 =	vmov s28;
	s31 =	sand.u32 $0x70, s18;
	v3 =	vsub.f32 $-1.364797590e+00, v3  }
0xba: {  	s21 =	sand.u32 $0xF, s24;
	p0 =	seq.s32 s24, $0x0;
	vm13 =	veq.s32 v39, v0;
	s24 =	sand.u32 $0x70, s25;
	v40 =	vld [tilespmem:s31+$0x1280];
	v4 =	vmul.f32 $8.999969360e-01, v4;
	v2 =	vnsel vm0, $0x0, v2  }
0xbb: {  	s21 =	simm.s32 @p0 $0xFFFFFFFF;
	v1 =	vadd.f32 v2, v1;
	v2 =	vnsel vm13, $0x0, v3;
	v3 =	vld [tilespmem:s24+$0x1700]  }
0xbc: {  	s0 =	sand.u32 $0xF, s23;
	p0 =	seq.s32 s23, $0x0;
	v7 =	vmov s21;
	v4 =	vsub.f32 $-1.364797590e+00, v4  }
0xbd: {  	s28 =	sand.u32 $0x70, s19;
	s0 =	simm.s32 @p0 $0xFFFFFFFF;
	vm14 =	veq.s32 v7, v0;
	v5 =	vmul.f32 $8.999969360e-01, v5;
	v1 =	vadd.f32 v2, v1  }
0xbe: {  	p0 =	seq.s32 s18, $0x0;
	v41 =	vmov s0;
	s0 =	sand.u32 $0xF, s18;
	v42 =	vld [tilespmem:s28+$0x1B80];
	v2 =	vnsel vm14, $0x0, v4  }
0xbf: {  	s0 =	simm.s32 @p0 $0xFFFFFFFF;
	v5 =	vsub.f32 $-1.364797590e+00, v5;
	v1 =	vadd.f32 v2, v1;
	v2 =	vmul.f32 $8.999969360e-01, v40  }
0xc0: {  	s21 =	sand.u32 $0xF, s25;
	vm15 =	veq.s32 v41, v0;
	p0 =	seq.s32 s25, $0x0;
	v44 =	vmov s0;
	s30 =	sand.u32 $0x70, s17;
	v3 =	vmul.f32 $8.999969360e-01, v3  }
0xc1: {  	s21 =	simm.s32 @p0 $0xFFFFFFFF;
	vm4 =	veq.s32 v44, v0;
	v43 =	vld [tilespmem:s30+$0x2000];
	v4 =	vnsel vm15, $0x0, v5;
	v2 =	vsub.f32 $-1.364797590e+00, v2  }
0xc2: {  	v45 =	vmov s21;
	s31 =	sand.u32 $0x70, s13;
	v1 =	vadd.f32 v4, v1;
	v3 =	vsub.f32 $-1.364797590e+00, v3  }
0xc3: {  	p0 =	seq.s32 s19, $0x0;
	s21 =	sand.u32 $0x70, s20;
	vm5 =	veq.s32 v45, v0;
	s18 =	sand.u32 $0xF, s19;
	v47 =	vld [tilespmem:s31+$0x2080];
	v46 =	vmul.f32 $8.999969360e-01, v42;
	v2 =	vnsel vm4, $0x0, v2  }
0xc4: {  	s18 =	simm.s32 @p0 $0xFFFFFFFF;
	v1 =	vadd.f32 v2, v1;
	v2 =	vnsel vm5, $0x0, v3;
	v3 =	vld [tilespmem:s21+$0x2500]  }
0xc5: {  	s0 =	sand.u32 $0xF, s17;
	p0 =	seq.s32 s17, $0x0;
	v48 =	vmov s18;
	v4 =	vsub.f32 $-1.364797590e+00, v46  }
0xc6: {  	s23 =	sand.u32 $0x70, s15;
	s0 =	simm.s32 @p0 $0xFFFFFFFF;
	vm6 =	veq.s32 v48, v0;
	v5 =	vmul.f32 $8.999969360e-01, v43;
	v1 =	vadd.f32 v2, v1  }
0xc7: {  	v50 =	vld [tilespmem:s23+$0x2980];
	p0 =	seq.s32 s13, $0x0;
	v49 =	vmov s0;
	s0 =	sand.u32 $0xF, s13;
	v2 =	vnsel vm6, $0x0, v4  }
0xc8: {  	s0 =	simm.s32 @p0 $0xFFFFFFFF;
	v5 =	vsub.f32 $-1.364797590e+00, v5;
	v1 =	vadd.f32 v2, v1;
	v2 =	vmul.f32 $8.999969360e-01, v47  }
0xc9: {  	s17 =	sand.u32 $0xF, s20;
	vm7 =	veq.s32 v49, v0;
	p0 =	seq.s32 s20, $0x0;
	v52 =	vmov s0;
	s24 =	sand.u32 $0x70, s16;
	v3 =	vmul.f32 $8.999969360e-01, v3  }
0xca: {  	s17 =	simm.s32 @p0 $0xFFFFFFFF;
	vm8 =	veq.s32 v52, v0;
	v51 =	vld [tilespmem:s24+$0x2E00];
	v4 =	vnsel vm7, $0x0, v5;
	v2 =	vsub.f32 $-1.364797590e+00, v2  }
0xcb: {  	s25 =	sand.u32 $0x70, s14;
	v53 =	vmov s17;
	v1 =	vadd.f32 v4, v1;
	v3 =	vsub.f32 $-1.364797590e+00, v3  }
0xcc: {  	s28 =	sand.u32 $0x70, s22;
	v55 =	vld [tilespmem:s25+$0x3280];
	s13 =	sand.u32 $0xF, s15;
	p0 =	seq.s32 s15, $0x0;
	v54 =	vmul.f32 $8.999969360e-01, v50;
	vm9 =	veq.s32 v53, v0;
	v2 =	vnsel vm8, $0x0, v2  }
0xcd: {  	s13 =	simm.s32 @p0 $0xFFFFFFFF;
	v1 =	vadd.f32 v2, v1;
	v2 =	vnsel vm9, $0x0, v3;
	v3 =	vld [tilespmem:s28+$0x3700]  }
0xce: {  	s0 =	sand.u32 $0xF, s16;
	p0 =	seq.s32 s16, $0x0;
	v56 =	vmov s13;
	v4 =	vsub.f32 $-1.364797590e+00, v54  }
0xcf: {  	s30 =	sand.u32 $0x70, s26;
	s0 =	simm.s32 @p0 $0xFFFFFFFF;
	vm10 =	veq.s32 v56, v0;
	v5 =	vmul.f32 $8.999969360e-01, v51;
	v1 =	vadd.f32 v2, v1  }
0xd0: {  	v58 =	vld [tilespmem:s30+$0x3B80];
	p0 =	seq.s32 s14, $0x0;
	v57 =	vmov s0;
	s0 =	sand.u32 $0xF, s14;
	v2 =	vnsel vm10, $0x0, v4  }
0xd1: {  	s31 =	sand.u32 $0x70, s29;
	s0 =	simm.s32 @p0 $0xFFFFFFFF;
	v5 =	vsub.f32 $-1.364797590e+00, v5;
	v1 =	vadd.f32 v2, v1;
	v2 =	vmul.f32 $8.999969360e-01, v55  }
0xd2: {  	v59 =	vld [tilespmem:s31+$0x4000];
	s14 =	sand.u32 $0xF, s22;
	vm11 =	veq.s32 v57, v0;
	p0 =	seq.s32 s22, $0x0;
	v60 =	vmov s0;
	v3 =	vmul.f32 $8.999969360e-01, v3  }
0xd3: {  	s14 =	simm.s32 @p0 $0xFFFFFFFF;
	vm12 =	veq.s32 v60, v0;
	v4 =	vnsel vm11, $0x0, v5;
	v2 =	vsub.f32 $-1.364797590e+00, v2  }
0xd4: {  	p0 =	seq.s32 s26, $0x0;
	s0 =	sand.u32 $0xF, s26;
	v61 =	vmov s14;
	v1 =	vadd.f32 v4, v1;
	v3 =	vsub.f32 $-1.364797590e+00, v3  }
0xd5: {  	v62 =	vmul.f32 $8.999969360e-01, v58;
	s0 =	simm.s32 @p0 $0xFFFFFFFF;
	vm13 =	veq.s32 v61, v0;
	v2 =	vnsel vm12, $0x0, v2  }
0xd6: {  	p0 =	seq.s32 s29, $0x0;
	v1 =	vadd.f32 v2, v1;
	v2 =	vnsel vm13, $0x0, v3;
	v3 =	vmov s0;
	s0 =	sand.u32 $0xF, s29  }
0xd7: {  	v5 =	vmul.f32 $8.999969360e-01, v59;
	v4 =	vsub.f32 $-1.364797590e+00, v62;
	s0 =	simm.s32 @p0 $0xFFFFFFFF;
	p0 =	sne.s32 s12, $0x380000  }
.Ltmp0:
0xd8: {  	vm14 =	veq.s32 v3, v0;
	v1 =	vadd.f32 v2, v1;
	(pc) =	sbr.rel @p0 .LBB2_2-.Ltmp0, $4  }
0xd9: {  	v63 =	vsub.f32 $-1.364797590e+00, v5;
	v2 =	vnsel vm14, $0x0, v4;
	v3 =	vmov s0  }
0xda: {  	vm15 =	veq.s32 v3, v0;
	v1 =	vadd.f32 v2, v1  }
0xdb: {  	v2 =	vnsel vm15, $0x0, v63  }
0xdc: {  	s11 =	sadd.s32 $0x10, s11;
	s12 =	sadd.s32 $0x80000, s12;
	v1 =	vadd.f32 v2, v1  }
0xdd: {  	s10 =	sadd.s32 $0x1, s10  }
0xde: {  	p0 =	sne.s32 s10, s6  }
.Ltmp1:
0xdf: {  	[tilespmem:$0x4080] =	vst v1;
	(pc) =	sbr.rel @p0 .LBB2_1-.Ltmp1, $4  }
0xe0: {  	[hbm4b:s5+s3] =	stream.linear.scatter [tilespmem:s9], [sflag:$0x2], $0x80, $0x38;
	[tilespmem:$0x4100] =	vst v63  }
0xe1: {  	_ =	swait.ge [sflag:s7], $0x80  }
0xe2: {  	[sflag:s7] =	ssyncset.done $0x0  }
0xe3: {  	[sflag:s7] =	ssyncadd.s32 $0xFFFFFF80  }
0xe4: {  	_ =	sfence.sel $0x180000  }
0xe5: {  	[bflag:$0x0] =	sbarrier.arrive $0xFFFF  }
0xe6: {  	_ =	strace $0x90000047  }
0xe7: {  	[bflag:$0x2] =	sbarrier.arrive $0xFFFF  }
0xe8: {  	p0 =	sne.s32 s2, $0x0;
	s0 =	rddreg [dreg:$0x2]  }
0xe9: {  	s0 =	sadd.s32 @!p0 $0x100000, s0  }
0xea: {  	[sflag:s0] =	ssyncadd.tile.s32 @!p0 $0x1;
	_ =	shalt  }
.Lfunc_end2:
_tile_overlayer_lowered:
.L_overlay_start_2:
0xeb: {  	(tag) =	ssettag $0x2  }
0xec: {  	s0 =	rddreg [dreg:$0x0];
	s2 =	stileid.u32  }
0xed: {  	s1 =	rddreg [dreg:$0x1];
	p0 =	sne.s32 s2, $0x0  }
0xee: {  	s3 =	rddreg [dreg:$0x2];
	[bflag:$0x3] =	sbarrier.arrive $0xFFFF;
	s2 =	simm.s32 @!p0 $0x1C02  }
0xef: {  	[timem:s3], [sflag:s2] =	dma.local @!p0 [hbm:s0], s1  }
0xf0: {  	s0 =	simm.s32 @!p0 $0x2  }
0xf1: {  	_ =	swait.ge @!p0 [sflag:s0], s1  }
0xf2: {  	s1 =	ssub.s32 @!p0 $0x0, s1;
	[sflag:s0] =	ssyncset.done @!p0 $0x0  }
0xf3: {  	[sflag:s0] =	ssyncadd.s32 @!p0 s1  }
0xf4: {  	[bflag:$0x3] =	sbarrier.arrive $0xFFFF  }
0xf5: {  	_ =	shalt  }

</sc_bundles>
